<compile_context>
chip_gen: v7x
topology: tpu7x:2x2x1
jax: 0.10.2.dev20260603
libtpu: 0.0.44.dev20260713+nightly
codegen_flags: <defaults>
</compile_context>

<pallas_src>
import functools

import jax
import jax.numpy as jnp
from jax import lax
from jax.experimental import pallas as pl
from jax.experimental.pallas import tpu as pltpu

try:
    from jax.experimental.pallas import tpu_sc as plsc
    _SC_INFO = plsc.get_sparse_core_info()
    _NC, _NS = _SC_INFO.num_cores, _SC_INFO.num_subcores
except Exception:
    plsc = None
    _NC, _NS = 2, 16

B, N, K = 4, 4096, 8
DH = 64
NW = _NC * _NS
E = B * N * K

_RB = 128


def _knn_body(pxr_ref, pyr_ref, pxc_ref, pyc_ref, out_ref):
    b = pl.program_id(0)
    pxr = pxr_ref[0]
    pyr = pyr_ref[0]
    pxc = pxc_ref[0]
    pyc = pyc_ref[0]
    dx = pxr - pxc
    dy = pyr - pyc
    d2 = dx * dx + dy * dy
    colid = lax.broadcasted_iota(jnp.int32, (_RB, N), 1).astype(jnp.float32)
    inf = jnp.float32(jnp.inf)
    cols = []
    for it in range(K):
        m = jnp.min(d2, axis=1, keepdims=True)
        hit = d2 == m
        idx = jnp.min(jnp.where(hit, colid, jnp.float32(N)), axis=1,
                      keepdims=True)
        cols.append(idx)
        if it < K - 1:
            d2 = jnp.where(colid == idx, inf, d2)
    nbr = jnp.concatenate(cols, axis=1).astype(jnp.int32) + b * N
    out_ref[0] = nbr


def _knn(posx_r, posy_r, posx_c, posy_c):
    return pl.pallas_call(
        _knn_body,
        grid=(B, N // _RB),
        in_specs=[
            pl.BlockSpec((1, _RB, 1), lambda b, i: (b, i, 0)),
            pl.BlockSpec((1, _RB, 1), lambda b, i: (b, i, 0)),
            pl.BlockSpec((1, 1, N), lambda b, i: (b, 0, 0)),
            pl.BlockSpec((1, 1, N), lambda b, i: (b, 0, 0)),
        ],
        out_specs=pl.BlockSpec((1, _RB, K), lambda b, i: (b, i, 0)),
        out_shape=jax.ShapeDtypeStruct((B, N, K), jnp.int32),
    )(posx_r, posy_r, posx_c, posy_c)



_CH = 64
_CPG = 8
_NBUF = 2


def _gather_rows(table, idx, d):
    n = idx.shape[0]
    per_w = n // NW
    chunk = min(per_w, 128)
    n_chunks = per_w // chunk
    mesh = plsc.VectorSubcoreMesh(core_axis_name="c", subcore_axis_name="s")

    @functools.partial(
        pl.kernel, mesh=mesh,
        compiler_params=pltpu.CompilerParams(use_tc_tiling_on_sc=False),
        out_type=jax.ShapeDtypeStruct((n, d), jnp.float32),
        scratch_types=[
            pltpu.VMEM((chunk,), jnp.int32),
            pltpu.VMEM((chunk, d), jnp.float32),
            pltpu.SemaphoreType.DMA,
        ],
    )
    def k(table_hbm, idx_hbm, out_hbm, idx_v, rows_v, sem):
        wid = lax.axis_index("s") * _NC + lax.axis_index("c")
        base = wid * per_w

        def body(ci, carry):
            off = base + ci * chunk
            pltpu.sync_copy(idx_hbm.at[pl.ds(off, chunk)], idx_v)
            pltpu.async_copy(table_hbm.at[idx_v], rows_v, sem).wait()
            pltpu.sync_copy(rows_v, out_hbm.at[pl.ds(off, chunk)])
            return carry

        lax.fori_loop(0, n_chunks, body, 0)

    return k(table, idx)


_RM = 1024


def _lin_body(relu_in, din, x_ref, wl_ref, bl_ref, wr_ref, br_ref,
              xl_ref, xr_ref):
    x = x_ref[...]
    if relu_in:
        x = jnp.maximum(x, 0.0)
    wl = wl_ref[...]
    wr = wr_ref[...]
    if din <= 2:
        xl = x[:, 0:1] * wl[0:1, :] + x[:, 1:2] * wl[1:2, :]
        xr = x[:, 0:1] * wr[0:1, :] + x[:, 1:2] * wr[1:2, :]
    else:
        xl = jnp.dot(x, wl, preferred_element_type=jnp.float32)
        xr = jnp.dot(x, wr, preferred_element_type=jnp.float32)
    xl_ref[...] = xl + bl_ref[...]
    xr_ref[...] = xr + br_ref[...]


def _linear(x, wl, bl, wr, br, relu_in):
    m, din = x.shape
    body = functools.partial(_lin_body, relu_in, din)
    return pl.pallas_call(
        body,
        grid=(m // _RM,),
        in_specs=[
            pl.BlockSpec((_RM, din), lambda i: (i, 0)),
            pl.BlockSpec((din, DH), lambda i: (0, 0)),
            pl.BlockSpec((1, DH), lambda i: (0, 0)),
            pl.BlockSpec((din, DH), lambda i: (0, 0)),
            pl.BlockSpec((1, DH), lambda i: (0, 0)),
        ],
        out_specs=[
            pl.BlockSpec((_RM, DH), lambda i: (i, 0)),
            pl.BlockSpec((_RM, DH), lambda i: (i, 0)),
        ],
        out_shape=[
            jax.ShapeDtypeStruct((m, DH), jnp.float32),
            jax.ShapeDtypeStruct((m, DH), jnp.float32),
        ],
    )(x, wl, bl, wr, br)


_RA = 512


def _agg_body(emit_next, g_ref, xr_ref, psx_ref, psy_ref, wsx_ref, wsy_ref,
              pdx_ref, pdy_ref, wdx_ref, wdy_ref,
              w2x_ref, aatt_ref, rk_ref, fold_ref, bias_ref, *rest):
    psx = psx_ref[...]
    psy = psy_ref[...]
    wsx = wsx_ref[...]
    wsy = wsy_ref[...]
    pdx = pdx_ref[...]
    pdy = pdy_ref[...]
    wdx = wdx_ref[...]
    wdy = wdy_ref[...]
    ddx = pdx - psx
    ddy = pdy - psy
    radial = jnp.sqrt(ddx * ddx + ddy * ddy)
    dot_s = wsx * ddx + wsy * ddy
    cross_s = wsx * ddy - wsy * ddx
    dot_d = wdx * ddx + wdy * ddy
    cross_d = wdx * ddy - wdy * ddx
    efx = jnp.concatenate(
        [radial, dot_s, cross_s, dot_d, cross_d, xr_ref[...]], axis=1)
    exw = jnp.dot(efx, w2x_ref[...], preferred_element_type=jnp.float32)
    g2 = g_ref[...]
    s = g2 + exw
    m = jnp.where(s >= 0, s, 0.2 * s)
    alpha = jnp.dot(m, aatt_ref[...], preferred_element_type=jnp.float32)
    amax = jnp.max(alpha, axis=1, keepdims=True)
    ex = jnp.exp(alpha - amax)
    den = jnp.sum(ex, axis=1, keepdims=True)
    a = ex / (den + 1e-16)
    aexp = jnp.dot(a, rk_ref[...], preferred_element_type=jnp.float32)
    w = g2 * aexp
    out = jnp.dot(w, fold_ref[...], preferred_element_type=jnp.float32)
    h = out + bias_ref[...]
    if emit_next:
        wl_ref, bl_ref, wr_ref, br_ref, xl_ref, xr_out_ref = rest
        hr = jnp.maximum(h, 0.0)
        xl_ref[...] = jnp.dot(hr, wl_ref[...],
                              preferred_element_type=jnp.float32) + bl_ref[...]
        xr_out_ref[...] = jnp.dot(hr, wr_ref[...],
                                  preferred_element_type=jnp.float32) + br_ref[...]
    else:
        rest[0][...] = h


def _aggregate(g2, xr, psx, psy, wsx, wsy, pdx, pdy, wdx, wdy,
               w2x, aatt, rk, fold, bias, nxt=None):
    m = xr.shape[0]
    kd = K * DH
    edge2 = pl.BlockSpec((_RA, K), lambda i: (i, 0))
    node1 = pl.BlockSpec((_RA, 1), lambda i: (i, 0))
    in_specs = [
        pl.BlockSpec((_RA, kd), lambda i: (i, 0)),
        pl.BlockSpec((_RA, DH), lambda i: (i, 0)),
        edge2, edge2, edge2, edge2,
        node1, node1, node1, node1,
        pl.BlockSpec((5 * K + DH, kd), lambda i: (0, 0)),
        pl.BlockSpec((kd, K), lambda i: (0, 0)),
        pl.BlockSpec((K, kd), lambda i: (0, 0)),
        pl.BlockSpec((kd, DH), lambda i: (0, 0)),
        pl.BlockSpec((1, DH), lambda i: (0, 0)),
    ]
    args = [g2, xr, psx, psy, wsx, wsy, pdx, pdy, wdx, wdy,
            w2x, aatt, rk, fold, bias]
    node_out = pl.BlockSpec((_RA, DH), lambda i: (i, 0))
    if nxt is None:
        out_specs = node_out
        out_shape = jax.ShapeDtypeStruct((m, DH), jnp.float32)
    else:
        wl, bl, wr, br = nxt
        in_specs += [
            pl.BlockSpec((DH, DH), lambda i: (0, 0)),
            pl.BlockSpec((1, DH), lambda i: (0, 0)),
            pl.BlockSpec((DH, DH), lambda i: (0, 0)),
            pl.BlockSpec((1, DH), lambda i: (0, 0)),
        ]
        args += [wl, bl, wr, br]
        out_specs = [node_out, node_out]
        out_shape = [jax.ShapeDtypeStruct((m, DH), jnp.float32),
                     jax.ShapeDtypeStruct((m, DH), jnp.float32)]
    return pl.pallas_call(
        functools.partial(_agg_body, nxt is not None),
        grid=(m // _RA,),
        in_specs=in_specs,
        out_specs=out_specs,
        out_shape=out_shape,
    )(*args)



def kernel(wind_direction, wind_speed, yaw, layout,
           Wl1, bl1, Wr1, br1, We1, att1, bias1,
           Wl2, bl2, Wr2, br2, We2, att2, bias2,
           Wl3, bl3, Wr3, br3, We3, att3, bias3):
    wd = jnp.deg2rad(wind_direction)
    ws_n = wind_speed / 28.0
    windx = ws_n * jnp.cos(wd)
    windy = ws_n * jnp.sin(wd)
    yw = jnp.deg2rad(yaw)
    posx = layout[:, :, 0:1] * 2.0 - 1.0
    posy = layout[:, :, 1:2] * 2.0 - 1.0
    x0 = jnp.concatenate([ws_n, yw], axis=-1).reshape(B * N, 2)
    pw = jnp.concatenate([posx, posy, windx, windy], axis=-1).reshape(B * N, 4)

    nbr = _knn(posx, posy,
               posx.reshape(B, 1, N), posy.reshape(B, 1, N))
    idx = nbr.reshape(E)

    pwg = _gather_rows(pw, idx, 4)
    psx = pwg[:, 0].reshape(B * N, K)
    psy = pwg[:, 1].reshape(B * N, K)
    wsx = pwg[:, 2].reshape(B * N, K)
    wsy = pwg[:, 3].reshape(B * N, K)
    pdx = pw[:, 0:1]
    pdy = pw[:, 1:2]
    wdx = pw[:, 2:3]
    wdy = pw[:, 3:4]

    eyek = jnp.eye(K, dtype=jnp.float32)
    rk = jnp.kron(eyek, jnp.ones((1, DH), jnp.float32))
    fold = jnp.kron(jnp.ones((K, 1), jnp.float32),
                    jnp.eye(DH, dtype=jnp.float32))
    k64 = jnp.kron(jnp.ones((1, K), jnp.float32),
                   jnp.eye(DH, dtype=jnp.float32))

    def mats(we, att):
        w2 = jnp.einsum('fd,kj->fkjd', we, eyek).reshape(5 * K, K * DH)
        w2x = jnp.concatenate([w2, k64], axis=0)
        aatt = jnp.kron(eyek, att.reshape(DH, 1))
        return w2x, aatt

    common = (psx, psy, wsx, wsy, pdx, pdy, wdx, wdy)
    xl, xr = _linear(x0, Wl1, bl1.reshape(1, DH), Wr1, br1.reshape(1, DH),
                     False)
    w2x1, aatt1 = mats(We1, att1)
    g2 = _gather_rows(xl, idx, DH).reshape(B * N, K * DH)
    xl, xr = _aggregate(g2, xr, *common, w2x1, aatt1, rk, fold,
                        bias1.reshape(1, DH),
                        nxt=(Wl2, bl2.reshape(1, DH), Wr2, br2.reshape(1, DH)))
    w2x2, aatt2 = mats(We2, att2)
    g2 = _gather_rows(xl, idx, DH).reshape(B * N, K * DH)
    xl, xr = _aggregate(g2, xr, *common, w2x2, aatt2, rk, fold,
                        bias2.reshape(1, DH),
                        nxt=(Wl3, bl3.reshape(1, DH), Wr3, br3.reshape(1, DH)))
    w2x3, aatt3 = mats(We3, att3)
    g2 = _gather_rows(xl, idx, DH).reshape(B * N, K * DH)
    h = _aggregate(g2, xr, *common, w2x3, aatt3, rk, fold,
                   bias3.reshape(1, DH))
    return h.reshape(B, N, DH)

# --- scband reference (transcript-rebuilt; emitter-appended) ---
"""Pipeline reference for scband-wind-farm-gnn-71725953843308 (READ-ONLY COPY).

The authoritative reference and input builder live on the scoring server;
editing this copy changes nothing except your own understanding.
"""

import jax, jax.numpy as jnp
import numpy as np

B = 4
N = 4096
K = 8
D_IN = 2
D_HID = 64
D_OUT = 64
D_EDGE = 5
MAP_X = 1.0
MAP_Y = 1.0
WS_LO = 0.0
WS_HI = 28.0


def _glorot(key, fan_in, fan_out, shape):
    lim = float(np.sqrt(6.0 / (fan_in + fan_out)))
    return jax.random.uniform(key, shape, jnp.float32, -lim, lim)


def setup_inputs(seed: int = 0):
    key = jax.random.key(seed)
    ks = jax.random.split(key, 40)
    inp = {}
    inp['wind_direction'] = jax.random.uniform(ks[0], (B, N, 1), dtype=jnp.float32)
    inp['wind_speed'] = jax.random.uniform(ks[1], (B, N, 1), dtype=jnp.float32)
    inp['yaw'] = jax.random.uniform(ks[2], (B, N, 1), dtype=jnp.float32)
    inp['layout'] = jax.random.uniform(ks[3], (B, N, 2), dtype=jnp.float32)
    dims = [(D_IN, D_HID), (D_HID, D_HID), (D_HID, D_OUT)]
    i = 4
    for li in range(3):
        din, dout = dims[li]
        inp['Wl%d' % (li + 1)] = _glorot(ks[i], din, dout, (din, dout)); i += 1
        inp['bl%d' % (li + 1)] = jnp.zeros((dout,), jnp.float32)
        inp['Wr%d' % (li + 1)] = _glorot(ks[i], din, dout, (din, dout)); i += 1
        inp['br%d' % (li + 1)] = jnp.zeros((dout,), jnp.float32)
        inp['We%d' % (li + 1)] = _glorot(ks[i], D_EDGE, dout, (D_EDGE, dout)); i += 1
        inp['att%d' % (li + 1)] = _glorot(ks[i], 1, dout, (dout,)); i += 1
        inp['bias%d' % (li + 1)] = jnp.zeros((dout,), jnp.float32)
    return inp


def _knn_edges(pos):
    # torch_cluster.knn_graph(pos, k, loop=True), flow='source_to_target':
    # row 0 = neighbor (src), row 1 = query (dst); self included since d=0 is minimal.
    p = jax.lax.stop_gradient(pos)
    d2 = jnp.sum((p[:, None, :] - p[None, :, :]) ** 2, axis=-1)
    _, nbr = jax.lax.top_k(-d2, K)
    dst = jnp.repeat(jnp.arange(N), K)
    src = nbr.reshape(-1)
    return src, dst


def _gatv2_layer(x, src, dst, edge_attr, Wl, bl, Wr, br, We, att, bias):
    # GATv2Conv, heads=1, edge_dim=5, add_self_loops=False, negative_slope=0.2
    xl = x @ Wl + bl
    xr = x @ Wr + br
    e = edge_attr @ We
    m = jax.nn.leaky_relu(xl[src] + xr[dst] + e, negative_slope=0.2)
    alpha = m @ att
    amax = jax.ops.segment_max(alpha, dst, num_segments=N)
    ex = jnp.exp(alpha - amax[dst])
    den = jax.ops.segment_sum(ex, dst, num_segments=N)
    a = ex / (den[dst] + 1e-16)
    out = jax.ops.segment_sum(xl[src] * a[:, None], dst, num_segments=N)
    return out + bias


def _forward_graph(wd, ws, yw, layout, params):
    wd = jnp.deg2rad(wd)
    ws_n = (ws - WS_LO) / (WS_HI - WS_LO)
    wind = jnp.concatenate([ws_n * jnp.cos(wd), ws_n * jnp.sin(wd)], axis=-1)
    yw = jnp.deg2rad(yw)
    pos = jnp.stack([layout[:, 0] / MAP_X * 2.0 - 1.0, layout[:, 1] / MAP_Y * 2.0 - 1.0], axis=-1)
    src, dst = _knn_edges(pos)
    x = jnp.concatenate([ws_n, yw], axis=-1)
    pos_diff = pos[dst] - pos[src]
    radial = jnp.linalg.norm(pos_diff, axis=-1, keepdims=True)
    wsrc = wind[src]
    wdst = wind[dst]
    dot_s = jnp.sum(wsrc * pos_diff, axis=-1, keepdims=True)
    cross_s = wsrc[:, 0:1] * pos_diff[:, 1:2] - wsrc[:, 1:2] * pos_diff[:, 0:1]
    dot_d = jnp.sum(wdst * pos_diff, axis=-1, keepdims=True)
    cross_d = wdst[:, 0:1] * pos_diff[:, 1:2] - wdst[:, 1:2] * pos_diff[:, 0:1]
    edge_attr = jnp.concatenate([radial, dot_s, cross_s, dot_d, cross_d], axis=-1)
    h = _gatv2_layer(x, src, dst, edge_attr, *params[0])
    h = jax.nn.relu(h)
    h = _gatv2_layer(h, src, dst, edge_attr, *params[1])
    h = jax.nn.relu(h)
    h = _gatv2_layer(h, src, dst, edge_attr, *params[2])
    return h


def reference(wind_direction, wind_speed, yaw, layout,
              Wl1, bl1, Wr1, br1, We1, att1, bias1,
              Wl2, bl2, Wr2, br2, We2, att2, bias2,
              Wl3, bl3, Wr3, br3, We3, att3, bias3):
    params = ((Wl1, bl1, Wr1, br1, We1, att1, bias1),
              (Wl2, bl2, Wr2, br2, We2, att2, bias2),
              (Wl3, bl3, Wr3, br3, We3, att3, bias3))
    f = lambda a, b, c, d: _forward_graph(a, b, c, d, params)
    return jax.vmap(f)(wind_direction, wind_speed, yaw, layout)

if __name__ == "__main__":
    import jax
    _d = setup_inputs()
    print(jax.jit(kernel)(*tuple(_d.values())))

</pallas_src>

<mosaic_0001>
#map = affine_map<(d0, d1) -> (0, 0)>
#map1 = affine_map<(d0, d1) -> (0)>
module attributes {stable_mosaic.version = 14 : i64} {
  func.func @k(%arg0: i32, %arg1: i32, %arg2: memref<16384x64xf32, #tpu.memory_space<hbm>>, %arg3: memref<131072xi32, #tpu.memory_space<hbm>>, %arg4: memref<131072x64xf32, #tpu.memory_space<hbm>>, %arg5: memref<128xi32, #tpu.memory_space<vmem>>, %arg6: memref<128x64xf32, #tpu.memory_space<vmem>>, %arg7: memref<!tpu.dma_semaphore, #tpu.memory_space<semaphore_mem>>) attributes {dimension_semantics = [#tpu.dimension_semantics<core_parallel>, #tpu.dimension_semantics<subcore_parallel>], iteration_bounds = array<i64: 2, 16>, scalar_prefetch = 0 : i64, scratch_operands = 3 : i64, tpu.core_type = #tpu.core_type<sc_vector_subcore>, window_params = [{transform_indices = #map}, {transform_indices = #map1}, {transform_indices = #map}]} {
    %mul3A = arith.constant 2 : i32
    %mul3A_0 = arith.muli %arg1, %mul3A : i32
    %add3A = arith.addi %mul3A_0, %arg0 : i32
    %mul3A_1 = arith.constant 4096 : i32
    %mul3A_2 = arith.muli %add3A, %mul3A_1 : i32
    %scan3A = arith.constant 0 : i32
    %scan3A_3 = arith.constant 0 : i32
    %scan3A_4 = arith.constant 32 : i32
    %scan3A_5 = arith.addi %scan3A_3, %scan3A_4 : i32
    %scan3A_6 = arith.constant 1 : i32
    scf.for %scan3A_8 = %scan3A_3 to %scan3A_5 step %scan3A_6  : i32 {
      %mul3A_9 = arith.constant 128 : i32
      %mul3A_10 = arith.muli %scan3A_8, %mul3A_9 : i32
      %add3A_11 = arith.addi %mul3A_2, %mul3A_10 : i32
      "tpu.region"() ({
        %run_scoped3A = tpu.sem_alloc : memref<!tpu.dma_semaphore, #tpu.memory_space<semaphore_mem>>
        %dma_start3A_16 = tpu.memref_slice %arg3[%add3A_11] : memref<131072xi32, #tpu.memory_space<hbm>> -> memref<128xi32, #tpu.memory_space<hbm>>
        %dma_start3A_17 = tpu.memref_slice %arg3[%add3A_11] : memref<131072xi32, #tpu.memory_space<hbm>> -> memref<128xi32, #tpu.memory_space<hbm>>
        tpu.enqueue_dma source(%dma_start3A_17 : memref<128xi32, #tpu.memory_space<hbm>>) target(%arg5 : memref<128xi32, #tpu.memory_space<vmem>>) target_semaphore(%run_scoped3A : memref<!tpu.dma_semaphore, #tpu.memory_space<semaphore_mem>>)
        %dma_wait3A_18 = tpu.memref_slice %arg3[%add3A_11] : memref<131072xi32, #tpu.memory_space<hbm>> -> memref<128xi32, #tpu.memory_space<hbm>>
        %dma_wait3A_19 = tpu.memref_slice %arg3[%add3A_11] : memref<131072xi32, #tpu.memory_space<hbm>> -> memref<128xi32, #tpu.memory_space<hbm>>
        tpu.wait_dma2 semaphore(%run_scoped3A : memref<!tpu.dma_semaphore, #tpu.memory_space<semaphore_mem>>) src(%dma_wait3A_19 : memref<128xi32, #tpu.memory_space<hbm>>) dst(%arg5 : memref<128xi32, #tpu.memory_space<vmem>>)
        tpu.yield
      }) : () -> ()
      %dma_start3A = arith.constant 0 : i32
      %dma_start3A_12 = arith.constant 0 : i32
      %dma_start3A_13 = tpu.memref_slice %arg2[%dma_start3A, %dma_start3A_12] : memref<16384x64xf32, #tpu.memory_space<hbm>> -> memref<16384x64xf32, #tpu.memory_space<hbm>>
      tpu.enqueue_indirect_dma source(%dma_start3A_13 : memref<16384x64xf32, #tpu.memory_space<hbm>>) target(%arg6 : memref<128x64xf32, #tpu.memory_space<vmem>>) offsets(%arg5 : memref<128xi32, #tpu.memory_space<vmem>>) semaphore(%arg7 : memref<!tpu.dma_semaphore, #tpu.memory_space<semaphore_mem>>)
      %dma_wait3A = arith.constant 0 : i32
      %dma_wait3A_14 = arith.constant 0 : i32
      %dma_wait3A_15 = tpu.memref_slice %arg2[%dma_wait3A, %dma_wait3A_14] : memref<16384x64xf32, #tpu.memory_space<hbm>> -> memref<16384x64xf32, #tpu.memory_space<hbm>>
      tpu.wait_indirect_dma semaphore(%arg7 : memref<!tpu.dma_semaphore, #tpu.memory_space<semaphore_mem>>) src(%dma_wait3A_15 : memref<16384x64xf32, #tpu.memory_space<hbm>>) dst(%arg6 : memref<128x64xf32, #tpu.memory_space<vmem>>)
      "tpu.region"() ({
        %run_scoped3A = tpu.sem_alloc : memref<!tpu.dma_semaphore, #tpu.memory_space<semaphore_mem>>
        %dma_start3A_16 = arith.constant 0 : i32
        %dma_start3A_17 = tpu.memref_slice %arg4[%add3A_11, %dma_start3A_16] : memref<131072x64xf32, #tpu.memory_space<hbm>> -> memref<128x64xf32, #tpu.memory_space<hbm>>
        %dma_start3A_18 = arith.constant 0 : i32
        %dma_start3A_19 = tpu.memref_slice %arg4[%add3A_11, %dma_start3A_18] : memref<131072x64xf32, #tpu.memory_space<hbm>> -> memref<128x64xf32, #tpu.memory_space<hbm>>
        tpu.enqueue_dma source(%arg6 : memref<128x64xf32, #tpu.memory_space<vmem>>) target(%dma_start3A_19 : memref<128x64xf32, #tpu.memory_space<hbm>>) target_semaphore(%run_scoped3A : memref<!tpu.dma_semaphore, #tpu.memory_space<semaphore_mem>>)
        %dma_wait3A_20 = arith.constant 0 : i32
        %dma_wait3A_21 = tpu.memref_slice %arg4[%add3A_11, %dma_wait3A_20] : memref<131072x64xf32, #tpu.memory_space<hbm>> -> memref<128x64xf32, #tpu.memory_space<hbm>>
        %dma_wait3A_22 = arith.constant 0 : i32
        %dma_wait3A_23 = tpu.memref_slice %arg4[%add3A_11, %dma_wait3A_22] : memref<131072x64xf32, #tpu.memory_space<hbm>> -> memref<128x64xf32, #tpu.memory_space<hbm>>
        tpu.wait_dma2 semaphore(%run_scoped3A : memref<!tpu.dma_semaphore, #tpu.memory_space<semaphore_mem>>) src(%arg6 : memref<128x64xf32, #tpu.memory_space<vmem>>) dst(%dma_wait3A_23 : memref<128x64xf32, #tpu.memory_space<hbm>>)
        tpu.yield
      }) : () -> ()
    }
    %scan3A_7 = arith.constant 32 : i32
    return
  }
}

#map = affine_map<(d0, d1) -> (0, 0)>
#map1 = affine_map<(d0, d1) -> (0)>
module attributes {stable_mosaic.version = 14 : i64} {
  func.func @k(%arg0: i32, %arg1: i32, %arg2: memref<16384x4xf32, #tpu.memory_space<hbm>>, %arg3: memref<131072xi32, #tpu.memory_space<hbm>>, %arg4: memref<131072x4xf32, #tpu.memory_space<hbm>>, %arg5: memref<128xi32, #tpu.memory_space<vmem>>, %arg6: memref<128x4xf32, #tpu.memory_space<vmem>>, %arg7: memref<!tpu.dma_semaphore, #tpu.memory_space<semaphore_mem>>) attributes {dimension_semantics = [#tpu.dimension_semantics<core_parallel>, #tpu.dimension_semantics<subcore_parallel>], iteration_bounds = array<i64: 2, 16>, scalar_prefetch = 0 : i64, scratch_operands = 3 : i64, tpu.core_type = #tpu.core_type<sc_vector_subcore>, window_params = [{transform_indices = #map}, {transform_indices = #map1}, {transform_indices = #map}]} {
    %mul3A = arith.constant 2 : i32
    %mul3A_0 = arith.muli %arg1, %mul3A : i32
    %add3A = arith.addi %mul3A_0, %arg0 : i32
    %mul3A_1 = arith.constant 4096 : i32
    %mul3A_2 = arith.muli %add3A, %mul3A_1 : i32
    %scan3A = arith.constant 0 : i32
    %scan3A_3 = arith.constant 0 : i32
    %scan3A_4 = arith.constant 32 : i32
    %scan3A_5 = arith.addi %scan3A_3, %scan3A_4 : i32
    %scan3A_6 = arith.constant 1 : i32
    scf.for %scan3A_8 = %scan3A_3 to %scan3A_5 step %scan3A_6  : i32 {
      %mul3A_9 = arith.constant 128 : i32
      %mul3A_10 = arith.muli %scan3A_8, %mul3A_9 : i32
      %add3A_11 = arith.addi %mul3A_2, %mul3A_10 : i32
      "tpu.region"() ({
        %run_scoped3A = tpu.sem_alloc : memref<!tpu.dma_semaphore, #tpu.memory_space<semaphore_mem>>
        %dma_start3A_16 = tpu.memref_slice %arg3[%add3A_11] : memref<131072xi32, #tpu.memory_space<hbm>> -> memref<128xi32, #tpu.memory_space<hbm>>
        %dma_start3A_17 = tpu.memref_slice %arg3[%add3A_11] : memref<131072xi32, #tpu.memory_space<hbm>> -> memref<128xi32, #tpu.memory_space<hbm>>
        tpu.enqueue_dma source(%dma_start3A_17 : memref<128xi32, #tpu.memory_space<hbm>>) target(%arg5 : memref<128xi32, #tpu.memory_space<vmem>>) target_semaphore(%run_scoped3A : memref<!tpu.dma_semaphore, #tpu.memory_space<semaphore_mem>>)
        %dma_wait3A_18 = tpu.memref_slice %arg3[%add3A_11] : memref<131072xi32, #tpu.memory_space<hbm>> -> memref<128xi32, #tpu.memory_space<hbm>>
        %dma_wait3A_19 = tpu.memref_slice %arg3[%add3A_11] : memref<131072xi32, #tpu.memory_space<hbm>> -> memref<128xi32, #tpu.memory_space<hbm>>
        tpu.wait_dma2 semaphore(%run_scoped3A : memref<!tpu.dma_semaphore, #tpu.memory_space<semaphore_mem>>) src(%dma_wait3A_19 : memref<128xi32, #tpu.memory_space<hbm>>) dst(%arg5 : memref<128xi32, #tpu.memory_space<vmem>>)
        tpu.yield
      }) : () -> ()
      %dma_start3A = arith.constant 0 : i32
      %dma_start3A_12 = arith.constant 0 : i32
      %dma_start3A_13 = tpu.memref_slice %arg2[%dma_start3A, %dma_start3A_12] : memref<16384x4xf32, #tpu.memory_space<hbm>> -> memref<16384x4xf32, #tpu.memory_space<hbm>>
      tpu.enqueue_indirect_dma source(%dma_start3A_13 : memref<16384x4xf32, #tpu.memory_space<hbm>>) target(%arg6 : memref<128x4xf32, #tpu.memory_space<vmem>>) offsets(%arg5 : memref<128xi32, #tpu.memory_space<vmem>>) semaphore(%arg7 : memref<!tpu.dma_semaphore, #tpu.memory_space<semaphore_mem>>)
      %dma_wait3A = arith.constant 0 : i32
      %dma_wait3A_14 = arith.constant 0 : i32
      %dma_wait3A_15 = tpu.memref_slice %arg2[%dma_wait3A, %dma_wait3A_14] : memref<16384x4xf32, #tpu.memory_space<hbm>> -> memref<16384x4xf32, #tpu.memory_space<hbm>>
      tpu.wait_indirect_dma semaphore(%arg7 : memref<!tpu.dma_semaphore, #tpu.memory_space<semaphore_mem>>) src(%dma_wait3A_15 : memref<16384x4xf32, #tpu.memory_space<hbm>>) dst(%arg6 : memref<128x4xf32, #tpu.memory_space<vmem>>)
      "tpu.region"() ({
        %run_scoped3A = tpu.sem_alloc : memref<!tpu.dma_semaphore, #tpu.memory_space<semaphore_mem>>
        %dma_start3A_16 = arith.constant 0 : i32
        %dma_start3A_17 = tpu.memref_slice %arg4[%add3A_11, %dma_start3A_16] : memref<131072x4xf32, #tpu.memory_space<hbm>> -> memref<128x4xf32, #tpu.memory_space<hbm>>
        %dma_start3A_18 = arith.constant 0 : i32
        %dma_start3A_19 = tpu.memref_slice %arg4[%add3A_11, %dma_start3A_18] : memref<131072x4xf32, #tpu.memory_space<hbm>> -> memref<128x4xf32, #tpu.memory_space<hbm>>
        tpu.enqueue_dma source(%arg6 : memref<128x4xf32, #tpu.memory_space<vmem>>) target(%dma_start3A_19 : memref<128x4xf32, #tpu.memory_space<hbm>>) target_semaphore(%run_scoped3A : memref<!tpu.dma_semaphore, #tpu.memory_space<semaphore_mem>>)
        %dma_wait3A_20 = arith.constant 0 : i32
        %dma_wait3A_21 = tpu.memref_slice %arg4[%add3A_11, %dma_wait3A_20] : memref<131072x4xf32, #tpu.memory_space<hbm>> -> memref<128x4xf32, #tpu.memory_space<hbm>>
        %dma_wait3A_22 = arith.constant 0 : i32
        %dma_wait3A_23 = tpu.memref_slice %arg4[%add3A_11, %dma_wait3A_22] : memref<131072x4xf32, #tpu.memory_space<hbm>> -> memref<128x4xf32, #tpu.memory_space<hbm>>
        tpu.wait_dma2 semaphore(%run_scoped3A : memref<!tpu.dma_semaphore, #tpu.memory_space<semaphore_mem>>) src(%arg6 : memref<128x4xf32, #tpu.memory_space<vmem>>) dst(%dma_wait3A_23 : memref<128x4xf32, #tpu.memory_space<hbm>>)
        tpu.yield
      }) : () -> ()
    }
    %scan3A_7 = arith.constant 32 : i32
    return
  }
}

#map = affine_map<(d0, d1) -> (0, 0)>
#map1 = affine_map<(d0, d1) -> (0)>
module attributes {stable_mosaic.version = 14 : i64} {
  func.func @k(%arg0: i32, %arg1: i32, %arg2: memref<16384x64xf32, #tpu.memory_space<hbm>>, %arg3: memref<131072xi32, #tpu.memory_space<hbm>>, %arg4: memref<131072x64xf32, #tpu.memory_space<hbm>>, %arg5: memref<128xi32, #tpu.memory_space<vmem>>, %arg6: memref<128x64xf32, #tpu.memory_space<vmem>>, %arg7: memref<!tpu.dma_semaphore, #tpu.memory_space<semaphore_mem>>) attributes {dimension_semantics = [#tpu.dimension_semantics<core_parallel>, #tpu.dimension_semantics<subcore_parallel>], iteration_bounds = array<i64: 2, 16>, scalar_prefetch = 0 : i64, scratch_operands = 3 : i64, tpu.core_type = #tpu.core_type<sc_vector_subcore>, window_params = [{transform_indices = #map}, {transform_indices = #map1}, {transform_indices = #map}]} {
    %mul3A = arith.constant 2 : i32
    %mul3A_0 = arith.muli %arg1, %mul3A : i32
    %add3A = arith.addi %mul3A_0, %arg0 : i32
    %mul3A_1 = arith.constant 4096 : i32
    %mul3A_2 = arith.muli %add3A, %mul3A_1 : i32
    %scan3A = arith.constant 0 : i32
    %scan3A_3 = arith.constant 0 : i32
    %scan3A_4 = arith.constant 32 : i32
    %scan3A_5 = arith.addi %scan3A_3, %scan3A_4 : i32
    %scan3A_6 = arith.constant 1 : i32
    scf.for %scan3A_8 = %scan3A_3 to %scan3A_5 step %scan3A_6  : i32 {
      %mul3A_9 = arith.constant 128 : i32
      %mul3A_10 = arith.muli %scan3A_8, %mul3A_9 : i32
      %add3A_11 = arith.addi %mul3A_2, %mul3A_10 : i32
      "tpu.region"() ({
        %run_scoped3A = tpu.sem_alloc : memref<!tpu.dma_semaphore, #tpu.memory_space<semaphore_mem>>
        %dma_start3A_16 = tpu.memref_slice %arg3[%add3A_11] : memref<131072xi32, #tpu.memory_space<hbm>> -> memref<128xi32, #tpu.memory_space<hbm>>
        %dma_start3A_17 = tpu.memref_slice %arg3[%add3A_11] : memref<131072xi32, #tpu.memory_space<hbm>> -> memref<128xi32, #tpu.memory_space<hbm>>
        tpu.enqueue_dma source(%dma_start3A_17 : memref<128xi32, #tpu.memory_space<hbm>>) target(%arg5 : memref<128xi32, #tpu.memory_space<vmem>>) target_semaphore(%run_scoped3A : memref<!tpu.dma_semaphore, #tpu.memory_space<semaphore_mem>>)
        %dma_wait3A_18 = tpu.memref_slice %arg3[%add3A_11] : memref<131072xi32, #tpu.memory_space<hbm>> -> memref<128xi32, #tpu.memory_space<hbm>>
        %dma_wait3A_19 = tpu.memref_slice %arg3[%add3A_11] : memref<131072xi32, #tpu.memory_space<hbm>> -> memref<128xi32, #tpu.memory_space<hbm>>
        tpu.wait_dma2 semaphore(%run_scoped3A : memref<!tpu.dma_semaphore, #tpu.memory_space<semaphore_mem>>) src(%dma_wait3A_19 : memref<128xi32, #tpu.memory_space<hbm>>) dst(%arg5 : memref<128xi32, #tpu.memory_space<vmem>>)
        tpu.yield
      }) : () -> ()
      %dma_start3A = arith.constant 0 : i32
      %dma_start3A_12 = arith.constant 0 : i32
      %dma_start3A_13 = tpu.memref_slice %arg2[%dma_start3A, %dma_start3A_12] : memref<16384x64xf32, #tpu.memory_space<hbm>> -> memref<16384x64xf32, #tpu.memory_space<hbm>>
      tpu.enqueue_indirect_dma source(%dma_start3A_13 : memref<16384x64xf32, #tpu.memory_space<hbm>>) target(%arg6 : memref<128x64xf32, #tpu.memory_space<vmem>>) offsets(%arg5 : memref<128xi32, #tpu.memory_space<vmem>>) semaphore(%arg7 : memref<!tpu.dma_semaphore, #tpu.memory_space<semaphore_mem>>)
      %dma_wait3A = arith.constant 0 : i32
      %dma_wait3A_14 = arith.constant 0 : i32
      %dma_wait3A_15 = tpu.memref_slice %arg2[%dma_wait3A, %dma_wait3A_14] : memref<16384x64xf32, #tpu.memory_space<hbm>> -> memref<16384x64xf32, #tpu.memory_space<hbm>>
      tpu.wait_indirect_dma semaphore(%arg7 : memref<!tpu.dma_semaphore, #tpu.memory_space<semaphore_mem>>) src(%dma_wait3A_15 : memref<16384x64xf32, #tpu.memory_space<hbm>>) dst(%arg6 : memref<128x64xf32, #tpu.memory_space<vmem>>)
      "tpu.region"() ({
        %run_scoped3A = tpu.sem_alloc : memref<!tpu.dma_semaphore, #tpu.memory_space<semaphore_mem>>
        %dma_start3A_16 = arith.constant 0 : i32
        %dma_start3A_17 = tpu.memref_slice %arg4[%add3A_11, %dma_start3A_16] : memref<131072x64xf32, #tpu.memory_space<hbm>> -> memref<128x64xf32, #tpu.memory_space<hbm>>
        %dma_start3A_18 = arith.constant 0 : i32
        %dma_start3A_19 = tpu.memref_slice %arg4[%add3A_11, %dma_start3A_18] : memref<131072x64xf32, #tpu.memory_space<hbm>> -> memref<128x64xf32, #tpu.memory_space<hbm>>
        tpu.enqueue_dma source(%arg6 : memref<128x64xf32, #tpu.memory_space<vmem>>) target(%dma_start3A_19 : memref<128x64xf32, #tpu.memory_space<hbm>>) target_semaphore(%run_scoped3A : memref<!tpu.dma_semaphore, #tpu.memory_space<semaphore_mem>>)
        %dma_wait3A_20 = arith.constant 0 : i32
        %dma_wait3A_21 = tpu.memref_slice %arg4[%add3A_11, %dma_wait3A_20] : memref<131072x64xf32, #tpu.memory_space<hbm>> -> memref<128x64xf32, #tpu.memory_space<hbm>>
        %dma_wait3A_22 = arith.constant 0 : i32
        %dma_wait3A_23 = tpu.memref_slice %arg4[%add3A_11, %dma_wait3A_22] : memref<131072x64xf32, #tpu.memory_space<hbm>> -> memref<128x64xf32, #tpu.memory_space<hbm>>
        tpu.wait_dma2 semaphore(%run_scoped3A : memref<!tpu.dma_semaphore, #tpu.memory_space<semaphore_mem>>) src(%arg6 : memref<128x64xf32, #tpu.memory_space<vmem>>) dst(%dma_wait3A_23 : memref<128x64xf32, #tpu.memory_space<hbm>>)
        tpu.yield
      }) : () -> ()
    }
    %scan3A_7 = arith.constant 32 : i32
    return
  }
}

#map = affine_map<(d0, d1) -> (0, 0)>
#map1 = affine_map<(d0, d1) -> (0)>
module attributes {stable_mosaic.version = 14 : i64} {
  func.func @k(%arg0: i32, %arg1: i32, %arg2: memref<16384x64xf32, #tpu.memory_space<hbm>>, %arg3: memref<131072xi32, #tpu.memory_space<hbm>>, %arg4: memref<131072x64xf32, #tpu.memory_space<hbm>>, %arg5: memref<128xi32, #tpu.memory_space<vmem>>, %arg6: memref<128x64xf32, #tpu.memory_space<vmem>>, %arg7: memref<!tpu.dma_semaphore, #tpu.memory_space<semaphore_mem>>) attributes {dimension_semantics = [#tpu.dimension_semantics<core_parallel>, #tpu.dimension_semantics<subcore_parallel>], iteration_bounds = array<i64: 2, 16>, scalar_prefetch = 0 : i64, scratch_operands = 3 : i64, tpu.core_type = #tpu.core_type<sc_vector_subcore>, window_params = [{transform_indices = #map}, {transform_indices = #map1}, {transform_indices = #map}]} {
    %mul3A = arith.constant 2 : i32
    %mul3A_0 = arith.muli %arg1, %mul3A : i32
    %add3A = arith.addi %mul3A_0, %arg0 : i32
    %mul3A_1 = arith.constant 4096 : i32
    %mul3A_2 = arith.muli %add3A, %mul3A_1 : i32
    %scan3A = arith.constant 0 : i32
    %scan3A_3 = arith.constant 0 : i32
    %scan3A_4 = arith.constant 32 : i32
    %scan3A_5 = arith.addi %scan3A_3, %scan3A_4 : i32
    %scan3A_6 = arith.constant 1 : i32
    scf.for %scan3A_8 = %scan3A_3 to %scan3A_5 step %scan3A_6  : i32 {
      %mul3A_9 = arith.constant 128 : i32
      %mul3A_10 = arith.muli %scan3A_8, %mul3A_9 : i32
      %add3A_11 = arith.addi %mul3A_2, %mul3A_10 : i32
      "tpu.region"() ({
        %run_scoped3A = tpu.sem_alloc : memref<!tpu.dma_semaphore, #tpu.memory_space<semaphore_mem>>
        %dma_start3A_16 = tpu.memref_slice %arg3[%add3A_11] : memref<131072xi32, #tpu.memory_space<hbm>> -> memref<128xi32, #tpu.memory_space<hbm>>
        %dma_start3A_17 = tpu.memref_slice %arg3[%add3A_11] : memref<131072xi32, #tpu.memory_space<hbm>> -> memref<128xi32, #tpu.memory_space<hbm>>
        tpu.enqueue_dma source(%dma_start3A_17 : memref<128xi32, #tpu.memory_space<hbm>>) target(%arg5 : memref<128xi32, #tpu.memory_space<vmem>>) target_semaphore(%run_scoped3A : memref<!tpu.dma_semaphore, #tpu.memory_space<semaphore_mem>>)
        %dma_wait3A_18 = tpu.memref_slice %arg3[%add3A_11] : memref<131072xi32, #tpu.memory_space<hbm>> -> memref<128xi32, #tpu.memory_space<hbm>>
        %dma_wait3A_19 = tpu.memref_slice %arg3[%add3A_11] : memref<131072xi32, #tpu.memory_space<hbm>> -> memref<128xi32, #tpu.memory_space<hbm>>
        tpu.wait_dma2 semaphore(%run_scoped3A : memref<!tpu.dma_semaphore, #tpu.memory_space<semaphore_mem>>) src(%dma_wait3A_19 : memref<128xi32, #tpu.memory_space<hbm>>) dst(%arg5 : memref<128xi32, #tpu.memory_space<vmem>>)
        tpu.yield
      }) : () -> ()
      %dma_start3A = arith.constant 0 : i32
      %dma_start3A_12 = arith.constant 0 : i32
      %dma_start3A_13 = tpu.memref_slice %arg2[%dma_start3A, %dma_start3A_12] : memref<16384x64xf32, #tpu.memory_space<hbm>> -> memref<16384x64xf32, #tpu.memory_space<hbm>>
      tpu.enqueue_indirect_dma source(%dma_start3A_13 : memref<16384x64xf32, #tpu.memory_space<hbm>>) target(%arg6 : memref<128x64xf32, #tpu.memory_space<vmem>>) offsets(%arg5 : memref<128xi32, #tpu.memory_space<vmem>>) semaphore(%arg7 : memref<!tpu.dma_semaphore, #tpu.memory_space<semaphore_mem>>)
      %dma_wait3A = arith.constant 0 : i32
      %dma_wait3A_14 = arith.constant 0 : i32
      %dma_wait3A_15 = tpu.memref_slice %arg2[%dma_wait3A, %dma_wait3A_14] : memref<16384x64xf32, #tpu.memory_space<hbm>> -> memref<16384x64xf32, #tpu.memory_space<hbm>>
      tpu.wait_indirect_dma semaphore(%arg7 : memref<!tpu.dma_semaphore, #tpu.memory_space<semaphore_mem>>) src(%dma_wait3A_15 : memref<16384x64xf32, #tpu.memory_space<hbm>>) dst(%arg6 : memref<128x64xf32, #tpu.memory_space<vmem>>)
      "tpu.region"() ({
        %run_scoped3A = tpu.sem_alloc : memref<!tpu.dma_semaphore, #tpu.memory_space<semaphore_mem>>
        %dma_start3A_16 = arith.constant 0 : i32
        %dma_start3A_17 = tpu.memref_slice %arg4[%add3A_11, %dma_start3A_16] : memref<131072x64xf32, #tpu.memory_space<hbm>> -> memref<128x64xf32, #tpu.memory_space<hbm>>
        %dma_start3A_18 = arith.constant 0 : i32
        %dma_start3A_19 = tpu.memref_slice %arg4[%add3A_11, %dma_start3A_18] : memref<131072x64xf32, #tpu.memory_space<hbm>> -> memref<128x64xf32, #tpu.memory_space<hbm>>
        tpu.enqueue_dma source(%arg6 : memref<128x64xf32, #tpu.memory_space<vmem>>) target(%dma_start3A_19 : memref<128x64xf32, #tpu.memory_space<hbm>>) target_semaphore(%run_scoped3A : memref<!tpu.dma_semaphore, #tpu.memory_space<semaphore_mem>>)
        %dma_wait3A_20 = arith.constant 0 : i32
        %dma_wait3A_21 = tpu.memref_slice %arg4[%add3A_11, %dma_wait3A_20] : memref<131072x64xf32, #tpu.memory_space<hbm>> -> memref<128x64xf32, #tpu.memory_space<hbm>>
        %dma_wait3A_22 = arith.constant 0 : i32
        %dma_wait3A_23 = tpu.memref_slice %arg4[%add3A_11, %dma_wait3A_22] : memref<131072x64xf32, #tpu.memory_space<hbm>> -> memref<128x64xf32, #tpu.memory_space<hbm>>
        tpu.wait_dma2 semaphore(%run_scoped3A : memref<!tpu.dma_semaphore, #tpu.memory_space<semaphore_mem>>) src(%arg6 : memref<128x64xf32, #tpu.memory_space<vmem>>) dst(%dma_wait3A_23 : memref<128x64xf32, #tpu.memory_space<hbm>>)
        tpu.yield
      }) : () -> ()
    }
    %scan3A_7 = arith.constant 32 : i32
    return
  }
}

module attributes {stable_mosaic.version = 14 : i64} {
  func.func @_knn_body(%arg0: i32, %arg1: i32, %arg2: memref<1x128x1xf32, #tpu.memory_space<vmem>>, %arg3: memref<1x128x1xf32, #tpu.memory_space<vmem>>, %arg4: memref<1x1x4096xf32, #tpu.memory_space<vmem>>, %arg5: memref<1x1x4096xf32, #tpu.memory_space<vmem>>, %arg6: memref<1x128x8xi32, #tpu.memory_space<vmem>>) attributes {dimension_semantics = [#tpu.dimension_semantics<arbitrary>, #tpu.dimension_semantics<arbitrary>], iteration_bounds = array<i64: 4, 32>, scalar_prefetch = 0 : i64, scratch_operands = 0 : i64, tpu.core_type = #tpu.core_type<tc>, window_params = [{transform_indices = @transform_0, window_bounds = array<i64: 1, 128, 1>}, {transform_indices = @transform_1, window_bounds = array<i64: 1, 128, 1>}, {transform_indices = @transform_2, window_bounds = array<i64: 1, 1, 4096>}, {transform_indices = @transform_3, window_bounds = array<i64: 1, 1, 4096>}, {transform_indices = @transform_4, window_bounds = array<i64: 1, 128, 8>}]} {
    %get3A = arith.constant 0 : index
    %get3A_0 = arith.constant 0 : index
    %get3A_1 = arith.constant 0 : index
    %get3A_2 = vector.load %arg2[%get3A, %get3A_0, %get3A_1] : memref<1x128x1xf32, #tpu.memory_space<vmem>>, vector<1x128x1xf32>
    %get3A_3 = vector.shape_cast %get3A_2 : vector<1x128x1xf32> to vector<128x1xf32>
    %get3A_4 = arith.constant 0 : index
    %get3A_5 = arith.constant 0 : index
    %get3A_6 = arith.constant 0 : index
    %get3A_7 = vector.load %arg3[%get3A_4, %get3A_5, %get3A_6] : memref<1x128x1xf32, #tpu.memory_space<vmem>>, vector<1x128x1xf32>
    %get3A_8 = vector.shape_cast %get3A_7 : vector<1x128x1xf32> to vector<128x1xf32>
    %get3A_9 = arith.constant 0 : index
    %get3A_10 = arith.constant 0 : index
    %get3A_11 = arith.constant 0 : index
    %get3A_12 = vector.load %arg4[%get3A_9, %get3A_10, %get3A_11] : memref<1x1x4096xf32, #tpu.memory_space<vmem>>, vector<1x1x4096xf32>
    %get3A_13 = vector.shape_cast %get3A_12 : vector<1x1x4096xf32> to vector<1x4096xf32>
    %get3A_14 = arith.constant 0 : index
    %get3A_15 = arith.constant 0 : index
    %get3A_16 = arith.constant 0 : index
    %get3A_17 = vector.load %arg5[%get3A_14, %get3A_15, %get3A_16] : memref<1x1x4096xf32, #tpu.memory_space<vmem>>, vector<1x1x4096xf32>
    %get3A_18 = vector.shape_cast %get3A_17 : vector<1x1x4096xf32> to vector<1x4096xf32>
    %sub3A = vector.broadcast %get3A_3 : vector<128x1xf32> to vector<128x4096xf32>
    %sub3A_19 = vector.broadcast %get3A_13 : vector<1x4096xf32> to vector<128x4096xf32>
    %sub3A_20 = arith.subf %sub3A, %sub3A_19 : vector<128x4096xf32>
    %sub3A_21 = vector.broadcast %get3A_8 : vector<128x1xf32> to vector<128x4096xf32>
    %sub3A_22 = vector.broadcast %get3A_18 : vector<1x4096xf32> to vector<128x4096xf32>
    %sub3A_23 = arith.subf %sub3A_21, %sub3A_22 : vector<128x4096xf32>
    %mul3A = arith.mulf %sub3A_20, %sub3A_20 : vector<128x4096xf32>
    %mul3A_24 = arith.mulf %sub3A_23, %sub3A_23 : vector<128x4096xf32>
    %add3A = arith.addf %mul3A, %mul3A_24 : vector<128x4096xf32>
    %iota3A = tpu.iota {dimensions = array<i32: 1>} : vector<128x4096xi32>
    %convert_element_type3A = arith.sitofp %iota3A : vector<128x4096xi32> to vector<128x4096xf32>
    %reduce_min3A = arith.constant dense<0x7F800000> : vector<128xf32>
    %reduce_min3A_25 = vector.multi_reduction <minimumf>, %add3A, %reduce_min3A [1] : vector<128x4096xf32> to vector<128xf32>
    %broadcast_in_dim3A = vector.shape_cast %reduce_min3A_25 : vector<128xf32> to vector<128x1xf32>
    %eq3A = vector.broadcast %broadcast_in_dim3A : vector<128x1xf32> to vector<128x4096xf32>
    %eq3A_26 = arith.cmpf oeq, %add3A, %eq3A : vector<128x4096xf32>
    %jit3A = arith.constant 4.096000e+03 : f32
    %broadcast_in_dim3A_27 = vector.broadcast %jit3A : f32 to vector<128x4096xf32>
    %select_n3A = arith.select %eq3A_26, %convert_element_type3A, %broadcast_in_dim3A_27 : vector<128x4096xi1>, vector<128x4096xf32>
    %reduce_min3A_28 = arith.constant dense<0x7F800000> : vector<128xf32>
    %reduce_min3A_29 = vector.multi_reduction <minimumf>, %select_n3A, %reduce_min3A_28 [1] : vector<128x4096xf32> to vector<128xf32>
    %broadcast_in_dim3A_30 = vector.shape_cast %reduce_min3A_29 : vector<128xf32> to vector<128x1xf32>
    %eq3A_31 = vector.broadcast %broadcast_in_dim3A_30 : vector<128x1xf32> to vector<128x4096xf32>
    %eq3A_32 = arith.cmpf oeq, %convert_element_type3A, %eq3A_31 : vector<128x4096xf32>
    %jit3A_33 = arith.constant 0x7F800000 : f32
    %broadcast_in_dim3A_34 = vector.broadcast %jit3A_33 : f32 to vector<128x4096xf32>
    %select_n3A_35 = arith.select %eq3A_32, %broadcast_in_dim3A_34, %add3A : vector<128x4096xi1>, vector<128x4096xf32>
    %reduce_min3A_36 = arith.constant dense<0x7F800000> : vector<128xf32>
    %reduce_min3A_37 = vector.multi_reduction <minimumf>, %select_n3A_35, %reduce_min3A_36 [1] : vector<128x4096xf32> to vector<128xf32>
    %broadcast_in_dim3A_38 = vector.shape_cast %reduce_min3A_37 : vector<128xf32> to vector<128x1xf32>
    %eq3A_39 = vector.broadcast %broadcast_in_dim3A_38 : vector<128x1xf32> to vector<128x4096xf32>
    %eq3A_40 = arith.cmpf oeq, %select_n3A_35, %eq3A_39 : vector<128x4096xf32>
    %jit3A_41 = arith.constant 4.096000e+03 : f32
    %broadcast_in_dim3A_42 = vector.broadcast %jit3A_41 : f32 to vector<128x4096xf32>
    %select_n3A_43 = arith.select %eq3A_40, %convert_element_type3A, %broadcast_in_dim3A_42 : vector<128x4096xi1>, vector<128x4096xf32>
    %reduce_min3A_44 = arith.constant dense<0x7F800000> : vector<128xf32>
    %reduce_min3A_45 = vector.multi_reduction <minimumf>, %select_n3A_43, %reduce_min3A_44 [1] : vector<128x4096xf32> to vector<128xf32>
    %broadcast_in_dim3A_46 = vector.shape_cast %reduce_min3A_45 : vector<128xf32> to vector<128x1xf32>
    %eq3A_47 = vector.broadcast %broadcast_in_dim3A_46 : vector<128x1xf32> to vector<128x4096xf32>
    %eq3A_48 = arith.cmpf oeq, %convert_element_type3A, %eq3A_47 : vector<128x4096xf32>
    %jit3A_49 = arith.constant 0x7F800000 : f32
    %broadcast_in_dim3A_50 = vector.broadcast %jit3A_49 : f32 to vector<128x4096xf32>
    %select_n3A_51 = arith.select %eq3A_48, %broadcast_in_dim3A_50, %select_n3A_35 : vector<128x4096xi1>, vector<128x4096xf32>
    %reduce_min3A_52 = arith.constant dense<0x7F800000> : vector<128xf32>
    %reduce_min3A_53 = vector.multi_reduction <minimumf>, %select_n3A_51, %reduce_min3A_52 [1] : vector<128x4096xf32> to vector<128xf32>
    %broadcast_in_dim3A_54 = vector.shape_cast %reduce_min3A_53 : vector<128xf32> to vector<128x1xf32>
    %eq3A_55 = vector.broadcast %broadcast_in_dim3A_54 : vector<128x1xf32> to vector<128x4096xf32>
    %eq3A_56 = arith.cmpf oeq, %select_n3A_51, %eq3A_55 : vector<128x4096xf32>
    %jit3A_57 = arith.constant 4.096000e+03 : f32
    %broadcast_in_dim3A_58 = vector.broadcast %jit3A_57 : f32 to vector<128x4096xf32>
    %select_n3A_59 = arith.select %eq3A_56, %convert_element_type3A, %broadcast_in_dim3A_58 : vector<128x4096xi1>, vector<128x4096xf32>
    %reduce_min3A_60 = arith.constant dense<0x7F800000> : vector<128xf32>
    %reduce_min3A_61 = vector.multi_reduction <minimumf>, %select_n3A_59, %reduce_min3A_60 [1] : vector<128x4096xf32> to vector<128xf32>
    %broadcast_in_dim3A_62 = vector.shape_cast %reduce_min3A_61 : vector<128xf32> to vector<128x1xf32>
    %eq3A_63 = vector.broadcast %broadcast_in_dim3A_62 : vector<128x1xf32> to vector<128x4096xf32>
    %eq3A_64 = arith.cmpf oeq, %convert_element_type3A, %eq3A_63 : vector<128x4096xf32>
    %jit3A_65 = arith.constant 0x7F800000 : f32
    %broadcast_in_dim3A_66 = vector.broadcast %jit3A_65 : f32 to vector<128x4096xf32>
    %select_n3A_67 = arith.select %eq3A_64, %broadcast_in_dim3A_66, %select_n3A_51 : vector<128x4096xi1>, vector<128x4096xf32>
    %reduce_min3A_68 = arith.constant dense<0x7F800000> : vector<128xf32>
    %reduce_min3A_69 = vector.multi_reduction <minimumf>, %select_n3A_67, %reduce_min3A_68 [1] : vector<128x4096xf32> to vector<128xf32>
    %broadcast_in_dim3A_70 = vector.shape_cast %reduce_min3A_69 : vector<128xf32> to vector<128x1xf32>
    %eq3A_71 = vector.broadcast %broadcast_in_dim3A_70 : vector<128x1xf32> to vector<128x4096xf32>
    %eq3A_72 = arith.cmpf oeq, %select_n3A_67, %eq3A_71 : vector<128x4096xf32>
    %jit3A_73 = arith.constant 4.096000e+03 : f32
    %broadcast_in_dim3A_74 = vector.broadcast %jit3A_73 : f32 to vector<128x4096xf32>
    %select_n3A_75 = arith.select %eq3A_72, %convert_element_type3A, %broadcast_in_dim3A_74 : vector<128x4096xi1>, vector<128x4096xf32>
    %reduce_min3A_76 = arith.constant dense<0x7F800000> : vector<128xf32>
    %reduce_min3A_77 = vector.multi_reduction <minimumf>, %select_n3A_75, %reduce_min3A_76 [1] : vector<128x4096xf32> to vector<128xf32>
    %broadcast_in_dim3A_78 = vector.shape_cast %reduce_min3A_77 : vector<128xf32> to vector<128x1xf32>
    %eq3A_79 = vector.broadcast %broadcast_in_dim3A_78 : vector<128x1xf32> to vector<128x4096xf32>
    %eq3A_80 = arith.cmpf oeq, %convert_element_type3A, %eq3A_79 : vector<128x4096xf32>
    %jit3A_81 = arith.constant 0x7F800000 : f32
    %broadcast_in_dim3A_82 = vector.broadcast %jit3A_81 : f32 to vector<128x4096xf32>
    %select_n3A_83 = arith.select %eq3A_80, %broadcast_in_dim3A_82, %select_n3A_67 : vector<128x4096xi1>, vector<128x4096xf32>
    %reduce_min3A_84 = arith.constant dense<0x7F800000> : vector<128xf32>
    %reduce_min3A_85 = vector.multi_reduction <minimumf>, %select_n3A_83, %reduce_min3A_84 [1] : vector<128x4096xf32> to vector<128xf32>
    %broadcast_in_dim3A_86 = vector.shape_cast %reduce_min3A_85 : vector<128xf32> to vector<128x1xf32>
    %eq3A_87 = vector.broadcast %broadcast_in_dim3A_86 : vector<128x1xf32> to vector<128x4096xf32>
    %eq3A_88 = arith.cmpf oeq, %select_n3A_83, %eq3A_87 : vector<128x4096xf32>
    %jit3A_89 = arith.constant 4.096000e+03 : f32
    %broadcast_in_dim3A_90 = vector.broadcast %jit3A_89 : f32 to vector<128x4096xf32>
    %select_n3A_91 = arith.select %eq3A_88, %convert_element_type3A, %broadcast_in_dim3A_90 : vector<128x4096xi1>, vector<128x4096xf32>
    %reduce_min3A_92 = arith.constant dense<0x7F800000> : vector<128xf32>
    %reduce_min3A_93 = vector.multi_reduction <minimumf>, %select_n3A_91, %reduce_min3A_92 [1] : vector<128x4096xf32> to vector<128xf32>
    %broadcast_in_dim3A_94 = vector.shape_cast %reduce_min3A_93 : vector<128xf32> to vector<128x1xf32>
    %eq3A_95 = vector.broadcast %broadcast_in_dim3A_94 : vector<128x1xf32> to vector<128x4096xf32>
    %eq3A_96 = arith.cmpf oeq, %convert_element_type3A, %eq3A_95 : vector<128x4096xf32>
    %jit3A_97 = arith.constant 0x7F800000 : f32
    %broadcast_in_dim3A_98 = vector.broadcast %jit3A_97 : f32 to vector<128x4096xf32>
    %select_n3A_99 = arith.select %eq3A_96, %broadcast_in_dim3A_98, %select_n3A_83 : vector<128x4096xi1>, vector<128x4096xf32>
    %reduce_min3A_100 = arith.constant dense<0x7F800000> : vector<128xf32>
    %reduce_min3A_101 = vector.multi_reduction <minimumf>, %select_n3A_99, %reduce_min3A_100 [1] : vector<128x4096xf32> to vector<128xf32>
    %broadcast_in_dim3A_102 = vector.shape_cast %reduce_min3A_101 : vector<128xf32> to vector<128x1xf32>
    %eq3A_103 = vector.broadcast %broadcast_in_dim3A_102 : vector<128x1xf32> to vector<128x4096xf32>
    %eq3A_104 = arith.cmpf oeq, %select_n3A_99, %eq3A_103 : vector<128x4096xf32>
    %jit3A_105 = arith.constant 4.096000e+03 : f32
    %broadcast_in_dim3A_106 = vector.broadcast %jit3A_105 : f32 to vector<128x4096xf32>
    %select_n3A_107 = arith.select %eq3A_104, %convert_element_type3A, %broadcast_in_dim3A_106 : vector<128x4096xi1>, vector<128x4096xf32>
    %reduce_min3A_108 = arith.constant dense<0x7F800000> : vector<128xf32>
    %reduce_min3A_109 = vector.multi_reduction <minimumf>, %select_n3A_107, %reduce_min3A_108 [1] : vector<128x4096xf32> to vector<128xf32>
    %broadcast_in_dim3A_110 = vector.shape_cast %reduce_min3A_109 : vector<128xf32> to vector<128x1xf32>
    %eq3A_111 = vector.broadcast %broadcast_in_dim3A_110 : vector<128x1xf32> to vector<128x4096xf32>
    %eq3A_112 = arith.cmpf oeq, %convert_element_type3A, %eq3A_111 : vector<128x4096xf32>
    %jit3A_113 = arith.constant 0x7F800000 : f32
    %broadcast_in_dim3A_114 = vector.broadcast %jit3A_113 : f32 to vector<128x4096xf32>
    %select_n3A_115 = arith.select %eq3A_112, %broadcast_in_dim3A_114, %select_n3A_99 : vector<128x4096xi1>, vector<128x4096xf32>
    %reduce_min3A_116 = arith.constant dense<0x7F800000> : vector<128xf32>
    %reduce_min3A_117 = vector.multi_reduction <minimumf>, %select_n3A_115, %reduce_min3A_116 [1] : vector<128x4096xf32> to vector<128xf32>
    %broadcast_in_dim3A_118 = vector.shape_cast %reduce_min3A_117 : vector<128xf32> to vector<128x1xf32>
    %eq3A_119 = vector.broadcast %broadcast_in_dim3A_118 : vector<128x1xf32> to vector<128x4096xf32>
    %eq3A_120 = arith.cmpf oeq, %select_n3A_115, %eq3A_119 : vector<128x4096xf32>
    %jit3A_121 = arith.constant 4.096000e+03 : f32
    %broadcast_in_dim3A_122 = vector.broadcast %jit3A_121 : f32 to vector<128x4096xf32>
    %select_n3A_123 = arith.select %eq3A_120, %convert_element_type3A, %broadcast_in_dim3A_122 : vector<128x4096xi1>, vector<128x4096xf32>
    %reduce_min3A_124 = arith.constant dense<0x7F800000> : vector<128xf32>
    %reduce_min3A_125 = vector.multi_reduction <minimumf>, %select_n3A_123, %reduce_min3A_124 [1] : vector<128x4096xf32> to vector<128xf32>
    %broadcast_in_dim3A_126 = vector.shape_cast %reduce_min3A_125 : vector<128xf32> to vector<128x1xf32>
    %eq3A_127 = vector.broadcast %broadcast_in_dim3A_126 : vector<128x1xf32> to vector<128x4096xf32>
    %eq3A_128 = arith.cmpf oeq, %convert_element_type3A, %eq3A_127 : vector<128x4096xf32>
    %jit3A_129 = arith.constant 0x7F800000 : f32
    %broadcast_in_dim3A_130 = vector.broadcast %jit3A_129 : f32 to vector<128x4096xf32>
    %select_n3A_131 = arith.select %eq3A_128, %broadcast_in_dim3A_130, %select_n3A_115 : vector<128x4096xi1>, vector<128x4096xf32>
    %reduce_min3A_132 = arith.constant dense<0x7F800000> : vector<128xf32>
    %reduce_min3A_133 = vector.multi_reduction <minimumf>, %select_n3A_131, %reduce_min3A_132 [1] : vector<128x4096xf32> to vector<128xf32>
    %broadcast_in_dim3A_134 = vector.shape_cast %reduce_min3A_133 : vector<128xf32> to vector<128x1xf32>
    %eq3A_135 = vector.broadcast %broadcast_in_dim3A_134 : vector<128x1xf32> to vector<128x4096xf32>
    %eq3A_136 = arith.cmpf oeq, %select_n3A_131, %eq3A_135 : vector<128x4096xf32>
    %jit3A_137 = arith.constant 4.096000e+03 : f32
    %broadcast_in_dim3A_138 = vector.broadcast %jit3A_137 : f32 to vector<128x4096xf32>
    %select_n3A_139 = arith.select %eq3A_136, %convert_element_type3A, %broadcast_in_dim3A_138 : vector<128x4096xi1>, vector<128x4096xf32>
    %reduce_min3A_140 = arith.constant dense<0x7F800000> : vector<128xf32>
    %reduce_min3A_141 = vector.multi_reduction <minimumf>, %select_n3A_139, %reduce_min3A_140 [1] : vector<128x4096xf32> to vector<128xf32>
    %broadcast_in_dim3A_142 = vector.shape_cast %reduce_min3A_141 : vector<128xf32> to vector<128x1xf32>
    %concatenate3A = tpu.concatenate %broadcast_in_dim3A_30, %broadcast_in_dim3A_46, %broadcast_in_dim3A_62, %broadcast_in_dim3A_78, %broadcast_in_dim3A_94, %broadcast_in_dim3A_110, %broadcast_in_dim3A_126, %broadcast_in_dim3A_142 in 1 : vector<128x1xf32>, vector<128x1xf32>, vector<128x1xf32>, vector<128x1xf32>, vector<128x1xf32>, vector<128x1xf32>, vector<128x1xf32>, vector<128x1xf32> -> vector<128x8xf32>
    %convert_element_type3A_143 = arith.fptosi %concatenate3A : vector<128x8xf32> to vector<128x8xi32>
    %mul3A_144 = arith.constant 4096 : i32
    %mul3A_145 = arith.muli %arg0, %mul3A_144 : i32
    %add3A_146 = vector.broadcast %mul3A_145 : i32 to vector<128x8xi32>
    %add3A_147 = arith.addi %convert_element_type3A_143, %add3A_146 : vector<128x8xi32>
    %swap3A = arith.constant 0 : index
    %swap3A_148 = arith.constant 0 : index
    %swap3A_149 = arith.constant 0 : index
    %swap3A_150 = vector.load %arg6[%swap3A, %swap3A_148, %swap3A_149] : memref<1x128x8xi32, #tpu.memory_space<vmem>>, vector<1x128x8xi32>
    %swap3A_151 = vector.shape_cast %swap3A_150 : vector<1x128x8xi32> to vector<128x8xi32>
    %swap3A_152 = vector.shape_cast %add3A_147 : vector<128x8xi32> to vector<1x128x8xi32>
    tpu.vector_store %arg6[%swap3A, %swap3A_148, %swap3A_149], %swap3A_152 {strides = array<i32>} : memref<1x128x8xi32, #tpu.memory_space<vmem>>, vector<1x128x8xi32>,
    return
  }
  func.func @transform_0(%arg0: i32, %arg1: i32) -> (i32, i32, i32) {
    %c0_i32 = arith.constant 0 : i32
    %c0_i32_0 = arith.constant 0 : i32
    return %arg0, %arg1, %c0_i32 : i32, i32, i32
  }
  func.func @transform_1(%arg0: i32, %arg1: i32) -> (i32, i32, i32) {
    %c0_i32 = arith.constant 0 : i32
    %c0_i32_0 = arith.constant 0 : i32
    return %arg0, %arg1, %c0_i32 : i32, i32, i32
  }
  func.func @transform_2(%arg0: i32, %arg1: i32) -> (i32, i32, i32) {
    %c0_i32 = arith.constant 0 : i32
    %c0_i32_0 = arith.constant 0 : i32
    %c0_i32_1 = arith.constant 0 : i32
    return %arg0, %c0_i32, %c0_i32_0 : i32, i32, i32
  }
  func.func @transform_3(%arg0: i32, %arg1: i32) -> (i32, i32, i32) {
    %c0_i32 = arith.constant 0 : i32
    %c0_i32_0 = arith.constant 0 : i32
    %c0_i32_1 = arith.constant 0 : i32
    return %arg0, %c0_i32, %c0_i32_0 : i32, i32, i32
  }
  func.func @transform_4(%arg0: i32, %arg1: i32) -> (i32, i32, i32) {
    %c0_i32 = arith.constant 0 : i32
    %c0_i32_0 = arith.constant 0 : i32
    return %arg0, %arg1, %c0_i32 : i32, i32, i32
  }
}

module attributes {stable_mosaic.version = 14 : i64} {
  func.func @_lin_body(%arg0: i32, %arg1: memref<1024x2xf32, #tpu.memory_space<vmem>>, %arg2: memref<2x64xf32, #tpu.memory_space<vmem>>, %arg3: memref<1x64xf32, #tpu.memory_space<vmem>>, %arg4: memref<2x64xf32, #tpu.memory_space<vmem>>, %arg5: memref<1x64xf32, #tpu.memory_space<vmem>>, %arg6: memref<1024x64xf32, #tpu.memory_space<vmem>>, %arg7: memref<1024x64xf32, #tpu.memory_space<vmem>>) attributes {dimension_semantics = [#tpu.dimension_semantics<arbitrary>], iteration_bounds = array<i64: 16>, scalar_prefetch = 0 : i64, scratch_operands = 0 : i64, tpu.core_type = #tpu.core_type<tc>, window_params = [{transform_indices = @transform_0, window_bounds = array<i64: 1024, 2>}, {pipeline_mode = #tpu.pipeline_mode<synchronous>, transform_indices = @transform_1, window_bounds = array<i64: 2, 64>}, {pipeline_mode = #tpu.pipeline_mode<synchronous>, transform_indices = @transform_2, window_bounds = array<i64: 1, 64>}, {pipeline_mode = #tpu.pipeline_mode<synchronous>, transform_indices = @transform_3, window_bounds = array<i64: 2, 64>}, {pipeline_mode = #tpu.pipeline_mode<synchronous>, transform_indices = @transform_4, window_bounds = array<i64: 1, 64>}, {transform_indices = @transform_5, window_bounds = array<i64: 1024, 64>}, {transform_indices = @transform_6, window_bounds = array<i64: 1024, 64>}]} {
    %get3A = arith.constant 0 : index
    %get3A_0 = arith.constant 0 : index
    %get3A_1 = vector.load %arg1[%get3A, %get3A_0] : memref<1024x2xf32, #tpu.memory_space<vmem>>, vector<1024x2xf32>
    %get3A_2 = arith.constant 0 : index
    %get3A_3 = arith.constant 0 : index
    %get3A_4 = vector.load %arg2[%get3A_2, %get3A_3] : memref<2x64xf32, #tpu.memory_space<vmem>>, vector<2x64xf32>
    %get3A_5 = arith.constant 0 : index
    %get3A_6 = arith.constant 0 : index
    %get3A_7 = vector.load %arg4[%get3A_5, %get3A_6] : memref<2x64xf32, #tpu.memory_space<vmem>>, vector<2x64xf32>
    %slice3A = vector.extract_strided_slice %get3A_1 {offsets = [0, 0], sizes = [1024, 1], strides = [1, 1]} : vector<1024x2xf32> to vector<1024x1xf32>
    %slice3A_8 = vector.extract_strided_slice %get3A_4 {offsets = [0, 0], sizes = [1, 64], strides = [1, 1]} : vector<2x64xf32> to vector<1x64xf32>
    %mul3A = vector.broadcast %slice3A : vector<1024x1xf32> to vector<1024x64xf32>
    %mul3A_9 = vector.broadcast %slice3A_8 : vector<1x64xf32> to vector<1024x64xf32>
    %mul3A_10 = arith.mulf %mul3A, %mul3A_9 : vector<1024x64xf32>
    %slice3A_11 = vector.extract_strided_slice %get3A_1 {offsets = [0, 1], sizes = [1024, 1], strides = [1, 1]} : vector<1024x2xf32> to vector<1024x1xf32>
    %slice3A_12 = vector.extract_strided_slice %get3A_4 {offsets = [1, 0], sizes = [1, 64], strides = [1, 1]} : vector<2x64xf32> to vector<1x64xf32>
    %mul3A_13 = vector.broadcast %slice3A_11 : vector<1024x1xf32> to vector<1024x64xf32>
    %mul3A_14 = vector.broadcast %slice3A_12 : vector<1x64xf32> to vector<1024x64xf32>
    %mul3A_15 = arith.mulf %mul3A_13, %mul3A_14 : vector<1024x64xf32>
    %add3A = arith.addf %mul3A_10, %mul3A_15 : vector<1024x64xf32>
    %slice3A_16 = vector.extract_strided_slice %get3A_1 {offsets = [0, 0], sizes = [1024, 1], strides = [1, 1]} : vector<1024x2xf32> to vector<1024x1xf32>
    %slice3A_17 = vector.extract_strided_slice %get3A_7 {offsets = [0, 0], sizes = [1, 64], strides = [1, 1]} : vector<2x64xf32> to vector<1x64xf32>
    %mul3A_18 = vector.broadcast %slice3A_16 : vector<1024x1xf32> to vector<1024x64xf32>
    %mul3A_19 = vector.broadcast %slice3A_17 : vector<1x64xf32> to vector<1024x64xf32>
    %mul3A_20 = arith.mulf %mul3A_18, %mul3A_19 : vector<1024x64xf32>
    %slice3A_21 = vector.extract_strided_slice %get3A_1 {offsets = [0, 1], sizes = [1024, 1], strides = [1, 1]} : vector<1024x2xf32> to vector<1024x1xf32>
    %slice3A_22 = vector.extract_strided_slice %get3A_7 {offsets = [1, 0], sizes = [1, 64], strides = [1, 1]} : vector<2x64xf32> to vector<1x64xf32>
    %mul3A_23 = vector.broadcast %slice3A_21 : vector<1024x1xf32> to vector<1024x64xf32>
    %mul3A_24 = vector.broadcast %slice3A_22 : vector<1x64xf32> to vector<1024x64xf32>
    %mul3A_25 = arith.mulf %mul3A_23, %mul3A_24 : vector<1024x64xf32>
    %add3A_26 = arith.addf %mul3A_20, %mul3A_25 : vector<1024x64xf32>
    %get3A_27 = arith.constant 0 : index
    %get3A_28 = arith.constant 0 : index
    %get3A_29 = vector.load %arg3[%get3A_27, %get3A_28] : memref<1x64xf32, #tpu.memory_space<vmem>>, vector<1x64xf32>
    %add3A_30 = vector.broadcast %get3A_29 : vector<1x64xf32> to vector<1024x64xf32>
    %add3A_31 = arith.addf %add3A, %add3A_30 : vector<1024x64xf32>
    %swap3A = arith.constant 0 : index
    %swap3A_32 = arith.constant 0 : index
    %swap3A_33 = vector.load %arg6[%swap3A, %swap3A_32] : memref<1024x64xf32, #tpu.memory_space<vmem>>, vector<1024x64xf32>
    tpu.vector_store %arg6[%swap3A, %swap3A_32], %add3A_31 {strides = array<i32>} : memref<1024x64xf32, #tpu.memory_space<vmem>>, vector<1024x64xf32>,
    %get3A_34 = arith.constant 0 : index
    %get3A_35 = arith.constant 0 : index
    %get3A_36 = vector.load %arg5[%get3A_34, %get3A_35] : memref<1x64xf32, #tpu.memory_space<vmem>>, vector<1x64xf32>
    %add3A_37 = vector.broadcast %get3A_36 : vector<1x64xf32> to vector<1024x64xf32>
    %add3A_38 = arith.addf %add3A_26, %add3A_37 : vector<1024x64xf32>
    %swap3A_39 = arith.constant 0 : index
    %swap3A_40 = arith.constant 0 : index
    %swap3A_41 = vector.load %arg7[%swap3A_39, %swap3A_40] : memref<1024x64xf32, #tpu.memory_space<vmem>>, vector<1024x64xf32>
    tpu.vector_store %arg7[%swap3A_39, %swap3A_40], %add3A_38 {strides = array<i32>} : memref<1024x64xf32, #tpu.memory_space<vmem>>, vector<1024x64xf32>,
    return
  }
  func.func @transform_0(%arg0: i32) -> (i32, i32) {
    %c0_i32 = arith.constant 0 : i32
    %c0_i32_0 = arith.constant 0 : i32
    return %arg0, %c0_i32 : i32, i32
  }
  func.func @transform_1(%arg0: i32) -> (i32, i32) {
    %c0_i32 = arith.constant 0 : i32
    %c0_i32_0 = arith.constant 0 : i32
    %c0_i32_1 = arith.constant 0 : i32
    return %c0_i32, %c0_i32_0 : i32, i32
  }
  func.func @transform_2(%arg0: i32) -> (i32, i32) {
    %c0_i32 = arith.constant 0 : i32
    %c0_i32_0 = arith.constant 0 : i32
    %c0_i32_1 = arith.constant 0 : i32
    return %c0_i32, %c0_i32_0 : i32, i32
  }
  func.func @transform_3(%arg0: i32) -> (i32, i32) {
    %c0_i32 = arith.constant 0 : i32
    %c0_i32_0 = arith.constant 0 : i32
    %c0_i32_1 = arith.constant 0 : i32
    return %c0_i32, %c0_i32_0 : i32, i32
  }
  func.func @transform_4(%arg0: i32) -> (i32, i32) {
    %c0_i32 = arith.constant 0 : i32
    %c0_i32_0 = arith.constant 0 : i32
    %c0_i32_1 = arith.constant 0 : i32
    return %c0_i32, %c0_i32_0 : i32, i32
  }
  func.func @transform_5(%arg0: i32) -> (i32, i32) {
    %c0_i32 = arith.constant 0 : i32
    %c0_i32_0 = arith.constant 0 : i32
    return %arg0, %c0_i32 : i32, i32
  }
  func.func @transform_6(%arg0: i32) -> (i32, i32) {
    %c0_i32 = arith.constant 0 : i32
    %c0_i32_0 = arith.constant 0 : i32
    return %arg0, %c0_i32 : i32, i32
  }
}

module attributes {stable_mosaic.version = 14 : i64} {
  func.func @_agg_body(%arg0: i32, %arg1: memref<512x512xf32, #tpu.memory_space<vmem>>, %arg2: memref<512x64xf32, #tpu.memory_space<vmem>>, %arg3: memref<512x8xf32, #tpu.memory_space<vmem>>, %arg4: memref<512x8xf32, #tpu.memory_space<vmem>>, %arg5: memref<512x8xf32, #tpu.memory_space<vmem>>, %arg6: memref<512x8xf32, #tpu.memory_space<vmem>>, %arg7: memref<512x1xf32, #tpu.memory_space<vmem>>, %arg8: memref<512x1xf32, #tpu.memory_space<vmem>>, %arg9: memref<512x1xf32, #tpu.memory_space<vmem>>, %arg10: memref<512x1xf32, #tpu.memory_space<vmem>>, %arg11: memref<104x512xf32, #tpu.memory_space<vmem>>, %arg12: memref<512x8xf32, #tpu.memory_space<vmem>>, %arg13: memref<8x512xf32, #tpu.memory_space<vmem>>, %arg14: memref<512x64xf32, #tpu.memory_space<vmem>>, %arg15: memref<1x64xf32, #tpu.memory_space<vmem>>, %arg16: memref<64x64xf32, #tpu.memory_space<vmem>>, %arg17: memref<1x64xf32, #tpu.memory_space<vmem>>, %arg18: memref<64x64xf32, #tpu.memory_space<vmem>>, %arg19: memref<1x64xf32, #tpu.memory_space<vmem>>, %arg20: memref<512x64xf32, #tpu.memory_space<vmem>>, %arg21: memref<512x64xf32, #tpu.memory_space<vmem>>) attributes {dimension_semantics = [#tpu.dimension_semantics<arbitrary>], iteration_bounds = array<i64: 32>, scalar_prefetch = 0 : i64, scratch_operands = 0 : i64, tpu.core_type = #tpu.core_type<tc>, window_params = [{transform_indices = @transform_0, window_bounds = array<i64: 512, 512>}, {transform_indices = @transform_1, window_bounds = array<i64: 512, 64>}, {transform_indices = @transform_2, window_bounds = array<i64: 512, 8>}, {transform_indices = @transform_3, window_bounds = array<i64: 512, 8>}, {transform_indices = @transform_4, window_bounds = array<i64: 512, 8>}, {transform_indices = @transform_5, window_bounds = array<i64: 512, 8>}, {transform_indices = @transform_6, window_bounds = array<i64: 512, 1>}, {transform_indices = @transform_7, window_bounds = array<i64: 512, 1>}, {transform_indices = @transform_8, window_bounds = array<i64: 512, 1>}, {transform_indices = @transform_9, window_bounds = array<i64: 512, 1>}, {pipeline_mode = #tpu.pipeline_mode<synchronous>, transform_indices = @transform_10, window_bounds = array<i64: 104, 512>}, {pipeline_mode = #tpu.pipeline_mode<synchronous>, transform_indices = @transform_11, window_bounds = array<i64: 512, 8>}, {pipeline_mode = #tpu.pipeline_mode<synchronous>, transform_indices = @transform_12, window_bounds = array<i64: 8, 512>}, {pipeline_mode = #tpu.pipeline_mode<synchronous>, transform_indices = @transform_13, window_bounds = array<i64: 512, 64>}, {pipeline_mode = #tpu.pipeline_mode<synchronous>, transform_indices = @transform_14, window_bounds = array<i64: 1, 64>}, {pipeline_mode = #tpu.pipeline_mode<synchronous>, transform_indices = @transform_15, window_bounds = array<i64: 64, 64>}, {pipeline_mode = #tpu.pipeline_mode<synchronous>, transform_indices = @transform_16, window_bounds = array<i64: 1, 64>}, {pipeline_mode = #tpu.pipeline_mode<synchronous>, transform_indices = @transform_17, window_bounds = array<i64: 64, 64>}, {pipeline_mode = #tpu.pipeline_mode<synchronous>, transform_indices = @transform_18, window_bounds = array<i64: 1, 64>}, {transform_indices = @transform_19, window_bounds = array<i64: 512, 64>}, {transform_indices = @transform_20, window_bounds = array<i64: 512, 64>}]} {
    %get3A = arith.constant 0 : index
    %get3A_0 = arith.constant 0 : index
    %get3A_1 = vector.load %arg3[%get3A, %get3A_0] : memref<512x8xf32, #tpu.memory_space<vmem>>, vector<512x8xf32>
    %get3A_2 = arith.constant 0 : index
    %get3A_3 = arith.constant 0 : index
    %get3A_4 = vector.load %arg4[%get3A_2, %get3A_3] : memref<512x8xf32, #tpu.memory_space<vmem>>, vector<512x8xf32>
    %get3A_5 = arith.constant 0 : index
    %get3A_6 = arith.constant 0 : index
    %get3A_7 = vector.load %arg5[%get3A_5, %get3A_6] : memref<512x8xf32, #tpu.memory_space<vmem>>, vector<512x8xf32>
    %get3A_8 = arith.constant 0 : index
    %get3A_9 = arith.constant 0 : index
    %get3A_10 = vector.load %arg6[%get3A_8, %get3A_9] : memref<512x8xf32, #tpu.memory_space<vmem>>, vector<512x8xf32>
    %get3A_11 = arith.constant 0 : index
    %get3A_12 = arith.constant 0 : index
    %get3A_13 = vector.load %arg7[%get3A_11, %get3A_12] : memref<512x1xf32, #tpu.memory_space<vmem>>, vector<512x1xf32>
    %get3A_14 = arith.constant 0 : index
    %get3A_15 = arith.constant 0 : index
    %get3A_16 = vector.load %arg8[%get3A_14, %get3A_15] : memref<512x1xf32, #tpu.memory_space<vmem>>, vector<512x1xf32>
    %get3A_17 = arith.constant 0 : index
    %get3A_18 = arith.constant 0 : index
    %get3A_19 = vector.load %arg9[%get3A_17, %get3A_18] : memref<512x1xf32, #tpu.memory_space<vmem>>, vector<512x1xf32>
    %get3A_20 = arith.constant 0 : index
    %get3A_21 = arith.constant 0 : index
    %get3A_22 = vector.load %arg10[%get3A_20, %get3A_21] : memref<512x1xf32, #tpu.memory_space<vmem>>, vector<512x1xf32>
    %sub3A = vector.broadcast %get3A_13 : vector<512x1xf32> to vector<512x8xf32>
    %sub3A_23 = arith.subf %sub3A, %get3A_1 : vector<512x8xf32>
    %sub3A_24 = vector.broadcast %get3A_16 : vector<512x1xf32> to vector<512x8xf32>
    %sub3A_25 = arith.subf %sub3A_24, %get3A_4 : vector<512x8xf32>
    %mul3A = arith.mulf %sub3A_23, %sub3A_23 : vector<512x8xf32>
    %mul3A_26 = arith.mulf %sub3A_25, %sub3A_25 : vector<512x8xf32>
    %add3A = arith.addf %mul3A, %mul3A_26 : vector<512x8xf32>
    %sqrt3A = math.sqrt %add3A : vector<512x8xf32>
    %mul3A_27 = arith.mulf %get3A_7, %sub3A_23 : vector<512x8xf32>
    %mul3A_28 = arith.mulf %get3A_10, %sub3A_25 : vector<512x8xf32>
    %add3A_29 = arith.addf %mul3A_27, %mul3A_28 : vector<512x8xf32>
    %mul3A_30 = arith.mulf %get3A_7, %sub3A_25 : vector<512x8xf32>
    %mul3A_31 = arith.mulf %get3A_10, %sub3A_23 : vector<512x8xf32>
    %sub3A_32 = arith.subf %mul3A_30, %mul3A_31 : vector<512x8xf32>
    %mul3A_33 = vector.broadcast %get3A_19 : vector<512x1xf32> to vector<512x8xf32>
    %mul3A_34 = arith.mulf %mul3A_33, %sub3A_23 : vector<512x8xf32>
    %mul3A_35 = vector.broadcast %get3A_22 : vector<512x1xf32> to vector<512x8xf32>
    %mul3A_36 = arith.mulf %mul3A_35, %sub3A_25 : vector<512x8xf32>
    %add3A_37 = arith.addf %mul3A_34, %mul3A_36 : vector<512x8xf32>
    %mul3A_38 = vector.broadcast %get3A_19 : vector<512x1xf32> to vector<512x8xf32>
    %mul3A_39 = arith.mulf %mul3A_38, %sub3A_25 : vector<512x8xf32>
    %mul3A_40 = vector.broadcast %get3A_22 : vector<512x1xf32> to vector<512x8xf32>
    %mul3A_41 = arith.mulf %mul3A_40, %sub3A_23 : vector<512x8xf32>
    %sub3A_42 = arith.subf %mul3A_39, %mul3A_41 : vector<512x8xf32>
    %get3A_43 = arith.constant 0 : index
    %get3A_44 = arith.constant 0 : index
    %get3A_45 = vector.load %arg2[%get3A_43, %get3A_44] : memref<512x64xf32, #tpu.memory_space<vmem>>, vector<512x64xf32>
    %concatenate3A = tpu.concatenate %sqrt3A, %add3A_29, %sub3A_32, %add3A_37, %sub3A_42, %get3A_45 in 1 : vector<512x8xf32>, vector<512x8xf32>, vector<512x8xf32>, vector<512x8xf32>, vector<512x8xf32>, vector<512x64xf32> -> vector<512x104xf32>
    %get3A_46 = arith.constant 0 : index
    %get3A_47 = arith.constant 0 : index
    %get3A_48 = vector.load %arg11[%get3A_46, %get3A_47] : memref<104x512xf32, #tpu.memory_space<vmem>>, vector<104x512xf32>
    %dot_general3A = arith.constant dense<0.000000e+00> : vector<512x512xf32>
    %dot_general3A_49 = tpu.matmul %concatenate3A, %get3A_48, %dot_general3A {dimension_numbers = #tpu.dot_dimension_numbers<[1], [0], [0], [1], [0, 0, 1, 1], [], []>, transpose_lhs_hint = false} : vector<512x104xf32>, vector<104x512xf32>, vector<512x512xf32> -> vector<512x512xf32>
    %get3A_50 = arith.constant 0 : index
    %get3A_51 = arith.constant 0 : index
    %get3A_52 = vector.load %arg1[%get3A_50, %get3A_51] : memref<512x512xf32, #tpu.memory_space<vmem>>, vector<512x512xf32>
    %add3A_53 = arith.addf %get3A_52, %dot_general3A_49 : vector<512x512xf32>
    %ge3A = arith.constant 0.000000e+00 : f32
    %ge3A_54 = vector.broadcast %ge3A : f32 to vector<512x512xf32>
    %ge3A_55 = arith.cmpf oge, %add3A_53, %ge3A_54 : vector<512x512xf32>
    %mul3A_56 = arith.constant 2.000000e-01 : f32
    %mul3A_57 = vector.broadcast %mul3A_56 : f32 to vector<512x512xf32>
    %mul3A_58 = arith.mulf %mul3A_57, %add3A_53 : vector<512x512xf32>
    %select_n3A = arith.select %ge3A_55, %add3A_53, %mul3A_58 : vector<512x512xi1>, vector<512x512xf32>
    %get3A_59 = arith.constant 0 : index
    %get3A_60 = arith.constant 0 : index
    %get3A_61 = vector.load %arg12[%get3A_59, %get3A_60] : memref<512x8xf32, #tpu.memory_space<vmem>>, vector<512x8xf32>
    %dot_general3A_62 = arith.constant dense<0.000000e+00> : vector<512x8xf32>
    %dot_general3A_63 = tpu.matmul %select_n3A, %get3A_61, %dot_general3A_62 {dimension_numbers = #tpu.dot_dimension_numbers<[1], [0], [0], [1], [0, 0, 1, 1], [], []>, transpose_lhs_hint = false} : vector<512x512xf32>, vector<512x8xf32>, vector<512x8xf32> -> vector<512x8xf32>
    %reduce_max3A = arith.constant dense<0xFF800000> : vector<512xf32>
    %reduce_max3A_64 = vector.multi_reduction <maximumf>, %dot_general3A_63, %reduce_max3A [1] : vector<512x8xf32> to vector<512xf32>
    %broadcast_in_dim3A = vector.shape_cast %reduce_max3A_64 : vector<512xf32> to vector<512x1xf32>
    %sub3A_65 = vector.broadcast %broadcast_in_dim3A : vector<512x1xf32> to vector<512x8xf32>
    %sub3A_66 = arith.subf %dot_general3A_63, %sub3A_65 : vector<512x8xf32>
    %exp3A = math.exp %sub3A_66 : vector<512x8xf32>
    %reduce_sum3A = arith.constant dense<0.000000e+00> : vector<512xf32>
    %reduce_sum3A_67 = vector.multi_reduction <add>, %exp3A, %reduce_sum3A [1] : vector<512x8xf32> to vector<512xf32>
    %broadcast_in_dim3A_68 = vector.shape_cast %reduce_sum3A_67 : vector<512xf32> to vector<512x1xf32>
    %add3A_69 = arith.constant 1.000000e-16 : f32
    %add3A_70 = vector.broadcast %add3A_69 : f32 to vector<512x1xf32>
    %add3A_71 = arith.addf %broadcast_in_dim3A_68, %add3A_70 : vector<512x1xf32>
    %div3A = vector.broadcast %add3A_71 : vector<512x1xf32> to vector<512x8xf32>
    %div3A_72 = arith.divf %exp3A, %div3A : vector<512x8xf32>
    %get3A_73 = arith.constant 0 : index
    %get3A_74 = arith.constant 0 : index
    %get3A_75 = vector.load %arg13[%get3A_73, %get3A_74] : memref<8x512xf32, #tpu.memory_space<vmem>>, vector<8x512xf32>
    %dot_general3A_76 = arith.constant dense<0.000000e+00> : vector<512x512xf32>
    %dot_general3A_77 = tpu.matmul %div3A_72, %get3A_75, %dot_general3A_76 {dimension_numbers = #tpu.dot_dimension_numbers<[1], [0], [0], [1], [0, 0, 1, 1], [], []>, transpose_lhs_hint = false} : vector<512x8xf32>, vector<8x512xf32>, vector<512x512xf32> -> vector<512x512xf32>
    %mul3A_78 = arith.mulf %get3A_52, %dot_general3A_77 : vector<512x512xf32>
    %get3A_79 = arith.constant 0 : index
    %get3A_80 = arith.constant 0 : index
    %get3A_81 = vector.load %arg14[%get3A_79, %get3A_80] : memref<512x64xf32, #tpu.memory_space<vmem>>, vector<512x64xf32>
    %dot_general3A_82 = arith.constant dense<0.000000e+00> : vector<512x64xf32>
    %dot_general3A_83 = tpu.matmul %mul3A_78, %get3A_81, %dot_general3A_82 {dimension_numbers = #tpu.dot_dimension_numbers<[1], [0], [0], [1], [0, 0, 1, 1], [], []>, transpose_lhs_hint = false} : vector<512x512xf32>, vector<512x64xf32>, vector<512x64xf32> -> vector<512x64xf32>
    %get3A_84 = arith.constant 0 : index
    %get3A_85 = arith.constant 0 : index
    %get3A_86 = vector.load %arg15[%get3A_84, %get3A_85] : memref<1x64xf32, #tpu.memory_space<vmem>>, vector<1x64xf32>
    %add3A_87 = vector.broadcast %get3A_86 : vector<1x64xf32> to vector<512x64xf32>
    %add3A_88 = arith.addf %dot_general3A_83, %add3A_87 : vector<512x64xf32>
    %max3A = arith.constant 0.000000e+00 : f32
    %max3A_89 = vector.broadcast %max3A : f32 to vector<512x64xf32>
    %max3A_90 = arith.maximumf %add3A_88, %max3A_89 : vector<512x64xf32>
    %get3A_91 = arith.constant 0 : index
    %get3A_92 = arith.constant 0 : index
    %get3A_93 = vector.load %arg16[%get3A_91, %get3A_92] : memref<64x64xf32, #tpu.memory_space<vmem>>, vector<64x64xf32>
    %dot_general3A_94 = arith.constant dense<0.000000e+00> : vector<512x64xf32>
    %dot_general3A_95 = tpu.matmul %max3A_90, %get3A_93, %dot_general3A_94 {dimension_numbers = #tpu.dot_dimension_numbers<[1], [0], [0], [1], [0, 0, 1, 1], [], []>, transpose_lhs_hint = false} : vector<512x64xf32>, vector<64x64xf32>, vector<512x64xf32> -> vector<512x64xf32>
    %get3A_96 = arith.constant 0 : index
    %get3A_97 = arith.constant 0 : index
    %get3A_98 = vector.load %arg17[%get3A_96, %get3A_97] : memref<1x64xf32, #tpu.memory_space<vmem>>, vector<1x64xf32>
    %add3A_99 = vector.broadcast %get3A_98 : vector<1x64xf32> to vector<512x64xf32>
    %add3A_100 = arith.addf %dot_general3A_95, %add3A_99 : vector<512x64xf32>
    %swap3A = arith.constant 0 : index
    %swap3A_101 = arith.constant 0 : index
    %swap3A_102 = vector.load %arg20[%swap3A, %swap3A_101] : memref<512x64xf32, #tpu.memory_space<vmem>>, vector<512x64xf32>
    tpu.vector_store %arg20[%swap3A, %swap3A_101], %add3A_100 {strides = array<i32>} : memref<512x64xf32, #tpu.memory_space<vmem>>, vector<512x64xf32>,
    %get3A_103 = arith.constant 0 : index
    %get3A_104 = arith.constant 0 : index
    %get3A_105 = vector.load %arg18[%get3A_103, %get3A_104] : memref<64x64xf32, #tpu.memory_space<vmem>>, vector<64x64xf32>
    %dot_general3A_106 = arith.constant dense<0.000000e+00> : vector<512x64xf32>
    %dot_general3A_107 = tpu.matmul %max3A_90, %get3A_105, %dot_general3A_106 {dimension_numbers = #tpu.dot_dimension_numbers<[1], [0], [0], [1], [0, 0, 1, 1], [], []>, transpose_lhs_hint = false} : vector<512x64xf32>, vector<64x64xf32>, vector<512x64xf32> -> vector<512x64xf32>
    %get3A_108 = arith.constant 0 : index
    %get3A_109 = arith.constant 0 : index
    %get3A_110 = vector.load %arg19[%get3A_108, %get3A_109] : memref<1x64xf32, #tpu.memory_space<vmem>>, vector<1x64xf32>
    %add3A_111 = vector.broadcast %get3A_110 : vector<1x64xf32> to vector<512x64xf32>
    %add3A_112 = arith.addf %dot_general3A_107, %add3A_111 : vector<512x64xf32>
    %swap3A_113 = arith.constant 0 : index
    %swap3A_114 = arith.constant 0 : index
    %swap3A_115 = vector.load %arg21[%swap3A_113, %swap3A_114] : memref<512x64xf32, #tpu.memory_space<vmem>>, vector<512x64xf32>
    tpu.vector_store %arg21[%swap3A_113, %swap3A_114], %add3A_112 {strides = array<i32>} : memref<512x64xf32, #tpu.memory_space<vmem>>, vector<512x64xf32>,
    return
  }
  func.func @transform_0(%arg0: i32) -> (i32, i32) {
    %c0_i32 = arith.constant 0 : i32
    %c0_i32_0 = arith.constant 0 : i32
    return %arg0, %c0_i32 : i32, i32
  }
  func.func @transform_1(%arg0: i32) -> (i32, i32) {
    %c0_i32 = arith.constant 0 : i32
    %c0_i32_0 = arith.constant 0 : i32
    return %arg0, %c0_i32 : i32, i32
  }
  func.func @transform_2(%arg0: i32) -> (i32, i32) {
    %c0_i32 = arith.constant 0 : i32
    %c0_i32_0 = arith.constant 0 : i32
    return %arg0, %c0_i32 : i32, i32
  }
  func.func @transform_3(%arg0: i32) -> (i32, i32) {
    %c0_i32 = arith.constant 0 : i32
    %c0_i32_0 = arith.constant 0 : i32
    return %arg0, %c0_i32 : i32, i32
  }
  func.func @transform_4(%arg0: i32) -> (i32, i32) {
    %c0_i32 = arith.constant 0 : i32
    %c0_i32_0 = arith.constant 0 : i32
    return %arg0, %c0_i32 : i32, i32
  }
  func.func @transform_5(%arg0: i32) -> (i32, i32) {
    %c0_i32 = arith.constant 0 : i32
    %c0_i32_0 = arith.constant 0 : i32
    return %arg0, %c0_i32 : i32, i32
  }
  func.func @transform_6(%arg0: i32) -> (i32, i32) {
    %c0_i32 = arith.constant 0 : i32
    %c0_i32_0 = arith.constant 0 : i32
    return %arg0, %c0_i32 : i32, i32
  }
  func.func @transform_7(%arg0: i32) -> (i32, i32) {
    %c0_i32 = arith.constant 0 : i32
    %c0_i32_0 = arith.constant 0 : i32
    return %arg0, %c0_i32 : i32, i32
  }
  func.func @transform_8(%arg0: i32) -> (i32, i32) {
    %c0_i32 = arith.constant 0 : i32
    %c0_i32_0 = arith.constant 0 : i32
    return %arg0, %c0_i32 : i32, i32
  }
  func.func @transform_9(%arg0: i32) -> (i32, i32) {
    %c0_i32 = arith.constant 0 : i32
    %c0_i32_0 = arith.constant 0 : i32
    return %arg0, %c0_i32 : i32, i32
  }
  func.func @transform_10(%arg0: i32) -> (i32, i32) {
    %c0_i32 = arith.constant 0 : i32
    %c0_i32_0 = arith.constant 0 : i32
    %c0_i32_1 = arith.constant 0 : i32
    return %c0_i32, %c0_i32_0 : i32, i32
  }
  func.func @transform_11(%arg0: i32) -> (i32, i32) {
    %c0_i32 = arith.constant 0 : i32
    %c0_i32_0 = arith.constant 0 : i32
    %c0_i32_1 = arith.constant 0 : i32
    return %c0_i32, %c0_i32_0 : i32, i32
  }
  func.func @transform_12(%arg0: i32) -> (i32, i32) {
    %c0_i32 = arith.constant 0 : i32
    %c0_i32_0 = arith.constant 0 : i32
    %c0_i32_1 = arith.constant 0 : i32
    return %c0_i32, %c0_i32_0 : i32, i32
  }
  func.func @transform_13(%arg0: i32) -> (i32, i32) {
    %c0_i32 = arith.constant 0 : i32
    %c0_i32_0 = arith.constant 0 : i32
    %c0_i32_1 = arith.constant 0 : i32
    return %c0_i32, %c0_i32_0 : i32, i32
  }
  func.func @transform_14(%arg0: i32) -> (i32, i32) {
    %c0_i32 = arith.constant 0 : i32
    %c0_i32_0 = arith.constant 0 : i32
    %c0_i32_1 = arith.constant 0 : i32
    return %c0_i32, %c0_i32_0 : i32, i32
  }
  func.func @transform_15(%arg0: i32) -> (i32, i32) {
    %c0_i32 = arith.constant 0 : i32
    %c0_i32_0 = arith.constant 0 : i32
    %c0_i32_1 = arith.constant 0 : i32
    return %c0_i32, %c0_i32_0 : i32, i32
  }
  func.func @transform_16(%arg0: i32) -> (i32, i32) {
    %c0_i32 = arith.constant 0 : i32
    %c0_i32_0 = arith.constant 0 : i32
    %c0_i32_1 = arith.constant 0 : i32
    return %c0_i32, %c0_i32_0 : i32, i32
  }
  func.func @transform_17(%arg0: i32) -> (i32, i32) {
    %c0_i32 = arith.constant 0 : i32
    %c0_i32_0 = arith.constant 0 : i32
    %c0_i32_1 = arith.constant 0 : i32
    return %c0_i32, %c0_i32_0 : i32, i32
  }
  func.func @transform_18(%arg0: i32) -> (i32, i32) {
    %c0_i32 = arith.constant 0 : i32
    %c0_i32_0 = arith.constant 0 : i32
    %c0_i32_1 = arith.constant 0 : i32
    return %c0_i32, %c0_i32_0 : i32, i32
  }
  func.func @transform_19(%arg0: i32) -> (i32, i32) {
    %c0_i32 = arith.constant 0 : i32
    %c0_i32_0 = arith.constant 0 : i32
    return %arg0, %c0_i32 : i32, i32
  }
  func.func @transform_20(%arg0: i32) -> (i32, i32) {
    %c0_i32 = arith.constant 0 : i32
    %c0_i32_0 = arith.constant 0 : i32
    return %arg0, %c0_i32 : i32, i32
  }
}

module attributes {stable_mosaic.version = 14 : i64} {
  func.func @_agg_body(%arg0: i32, %arg1: memref<512x512xf32, #tpu.memory_space<vmem>>, %arg2: memref<512x64xf32, #tpu.memory_space<vmem>>, %arg3: memref<512x8xf32, #tpu.memory_space<vmem>>, %arg4: memref<512x8xf32, #tpu.memory_space<vmem>>, %arg5: memref<512x8xf32, #tpu.memory_space<vmem>>, %arg6: memref<512x8xf32, #tpu.memory_space<vmem>>, %arg7: memref<512x1xf32, #tpu.memory_space<vmem>>, %arg8: memref<512x1xf32, #tpu.memory_space<vmem>>, %arg9: memref<512x1xf32, #tpu.memory_space<vmem>>, %arg10: memref<512x1xf32, #tpu.memory_space<vmem>>, %arg11: memref<104x512xf32, #tpu.memory_space<vmem>>, %arg12: memref<512x8xf32, #tpu.memory_space<vmem>>, %arg13: memref<8x512xf32, #tpu.memory_space<vmem>>, %arg14: memref<512x64xf32, #tpu.memory_space<vmem>>, %arg15: memref<1x64xf32, #tpu.memory_space<vmem>>, %arg16: memref<512x64xf32, #tpu.memory_space<vmem>>) attributes {dimension_semantics = [#tpu.dimension_semantics<arbitrary>], iteration_bounds = array<i64: 32>, scalar_prefetch = 0 : i64, scratch_operands = 0 : i64, tpu.core_type = #tpu.core_type<tc>, window_params = [{transform_indices = @transform_0, window_bounds = array<i64: 512, 512>}, {transform_indices = @transform_1, window_bounds = array<i64: 512, 64>}, {transform_indices = @transform_2, window_bounds = array<i64: 512, 8>}, {transform_indices = @transform_3, window_bounds = array<i64: 512, 8>}, {transform_indices = @transform_4, window_bounds = array<i64: 512, 8>}, {transform_indices = @transform_5, window_bounds = array<i64: 512, 8>}, {transform_indices = @transform_6, window_bounds = array<i64: 512, 1>}, {transform_indices = @transform_7, window_bounds = array<i64: 512, 1>}, {transform_indices = @transform_8, window_bounds = array<i64: 512, 1>}, {transform_indices = @transform_9, window_bounds = array<i64: 512, 1>}, {pipeline_mode = #tpu.pipeline_mode<synchronous>, transform_indices = @transform_10, window_bounds = array<i64: 104, 512>}, {pipeline_mode = #tpu.pipeline_mode<synchronous>, transform_indices = @transform_11, window_bounds = array<i64: 512, 8>}, {pipeline_mode = #tpu.pipeline_mode<synchronous>, transform_indices = @transform_12, window_bounds = array<i64: 8, 512>}, {pipeline_mode = #tpu.pipeline_mode<synchronous>, transform_indices = @transform_13, window_bounds = array<i64: 512, 64>}, {pipeline_mode = #tpu.pipeline_mode<synchronous>, transform_indices = @transform_14, window_bounds = array<i64: 1, 64>}, {transform_indices = @transform_15, window_bounds = array<i64: 512, 64>}]} {
    %get3A = arith.constant 0 : index
    %get3A_0 = arith.constant 0 : index
    %get3A_1 = vector.load %arg3[%get3A, %get3A_0] : memref<512x8xf32, #tpu.memory_space<vmem>>, vector<512x8xf32>
    %get3A_2 = arith.constant 0 : index
    %get3A_3 = arith.constant 0 : index
    %get3A_4 = vector.load %arg4[%get3A_2, %get3A_3] : memref<512x8xf32, #tpu.memory_space<vmem>>, vector<512x8xf32>
    %get3A_5 = arith.constant 0 : index
    %get3A_6 = arith.constant 0 : index
    %get3A_7 = vector.load %arg5[%get3A_5, %get3A_6] : memref<512x8xf32, #tpu.memory_space<vmem>>, vector<512x8xf32>
    %get3A_8 = arith.constant 0 : index
    %get3A_9 = arith.constant 0 : index
    %get3A_10 = vector.load %arg6[%get3A_8, %get3A_9] : memref<512x8xf32, #tpu.memory_space<vmem>>, vector<512x8xf32>
    %get3A_11 = arith.constant 0 : index
    %get3A_12 = arith.constant 0 : index
    %get3A_13 = vector.load %arg7[%get3A_11, %get3A_12] : memref<512x1xf32, #tpu.memory_space<vmem>>, vector<512x1xf32>
    %get3A_14 = arith.constant 0 : index
    %get3A_15 = arith.constant 0 : index
    %get3A_16 = vector.load %arg8[%get3A_14, %get3A_15] : memref<512x1xf32, #tpu.memory_space<vmem>>, vector<512x1xf32>
    %get3A_17 = arith.constant 0 : index
    %get3A_18 = arith.constant 0 : index
    %get3A_19 = vector.load %arg9[%get3A_17, %get3A_18] : memref<512x1xf32, #tpu.memory_space<vmem>>, vector<512x1xf32>
    %get3A_20 = arith.constant 0 : index
    %get3A_21 = arith.constant 0 : index
    %get3A_22 = vector.load %arg10[%get3A_20, %get3A_21] : memref<512x1xf32, #tpu.memory_space<vmem>>, vector<512x1xf32>
    %sub3A = vector.broadcast %get3A_13 : vector<512x1xf32> to vector<512x8xf32>
    %sub3A_23 = arith.subf %sub3A, %get3A_1 : vector<512x8xf32>
    %sub3A_24 = vector.broadcast %get3A_16 : vector<512x1xf32> to vector<512x8xf32>
    %sub3A_25 = arith.subf %sub3A_24, %get3A_4 : vector<512x8xf32>
    %mul3A = arith.mulf %sub3A_23, %sub3A_23 : vector<512x8xf32>
    %mul3A_26 = arith.mulf %sub3A_25, %sub3A_25 : vector<512x8xf32>
    %add3A = arith.addf %mul3A, %mul3A_26 : vector<512x8xf32>
    %sqrt3A = math.sqrt %add3A : vector<512x8xf32>
    %mul3A_27 = arith.mulf %get3A_7, %sub3A_23 : vector<512x8xf32>
    %mul3A_28 = arith.mulf %get3A_10, %sub3A_25 : vector<512x8xf32>
    %add3A_29 = arith.addf %mul3A_27, %mul3A_28 : vector<512x8xf32>
    %mul3A_30 = arith.mulf %get3A_7, %sub3A_25 : vector<512x8xf32>
    %mul3A_31 = arith.mulf %get3A_10, %sub3A_23 : vector<512x8xf32>
    %sub3A_32 = arith.subf %mul3A_30, %mul3A_31 : vector<512x8xf32>
    %mul3A_33 = vector.broadcast %get3A_19 : vector<512x1xf32> to vector<512x8xf32>
    %mul3A_34 = arith.mulf %mul3A_33, %sub3A_23 : vector<512x8xf32>
    %mul3A_35 = vector.broadcast %get3A_22 : vector<512x1xf32> to vector<512x8xf32>
    %mul3A_36 = arith.mulf %mul3A_35, %sub3A_25 : vector<512x8xf32>
    %add3A_37 = arith.addf %mul3A_34, %mul3A_36 : vector<512x8xf32>
    %mul3A_38 = vector.broadcast %get3A_19 : vector<512x1xf32> to vector<512x8xf32>
    %mul3A_39 = arith.mulf %mul3A_38, %sub3A_25 : vector<512x8xf32>
    %mul3A_40 = vector.broadcast %get3A_22 : vector<512x1xf32> to vector<512x8xf32>
    %mul3A_41 = arith.mulf %mul3A_40, %sub3A_23 : vector<512x8xf32>
    %sub3A_42 = arith.subf %mul3A_39, %mul3A_41 : vector<512x8xf32>
    %get3A_43 = arith.constant 0 : index
    %get3A_44 = arith.constant 0 : index
    %get3A_45 = vector.load %arg2[%get3A_43, %get3A_44] : memref<512x64xf32, #tpu.memory_space<vmem>>, vector<512x64xf32>
    %concatenate3A = tpu.concatenate %sqrt3A, %add3A_29, %sub3A_32, %add3A_37, %sub3A_42, %get3A_45 in 1 : vector<512x8xf32>, vector<512x8xf32>, vector<512x8xf32>, vector<512x8xf32>, vector<512x8xf32>, vector<512x64xf32> -> vector<512x104xf32>
    %get3A_46 = arith.constant 0 : index
    %get3A_47 = arith.constant 0 : index
    %get3A_48 = vector.load %arg11[%get3A_46, %get3A_47] : memref<104x512xf32, #tpu.memory_space<vmem>>, vector<104x512xf32>
    %dot_general3A = arith.constant dense<0.000000e+00> : vector<512x512xf32>
    %dot_general3A_49 = tpu.matmul %concatenate3A, %get3A_48, %dot_general3A {dimension_numbers = #tpu.dot_dimension_numbers<[1], [0], [0], [1], [0, 0, 1, 1], [], []>, transpose_lhs_hint = false} : vector<512x104xf32>, vector<104x512xf32>, vector<512x512xf32> -> vector<512x512xf32>
    %get3A_50 = arith.constant 0 : index
    %get3A_51 = arith.constant 0 : index
    %get3A_52 = vector.load %arg1[%get3A_50, %get3A_51] : memref<512x512xf32, #tpu.memory_space<vmem>>, vector<512x512xf32>
    %add3A_53 = arith.addf %get3A_52, %dot_general3A_49 : vector<512x512xf32>
    %ge3A = arith.constant 0.000000e+00 : f32
    %ge3A_54 = vector.broadcast %ge3A : f32 to vector<512x512xf32>
    %ge3A_55 = arith.cmpf oge, %add3A_53, %ge3A_54 : vector<512x512xf32>
    %mul3A_56 = arith.constant 2.000000e-01 : f32
    %mul3A_57 = vector.broadcast %mul3A_56 : f32 to vector<512x512xf32>
    %mul3A_58 = arith.mulf %mul3A_57, %add3A_53 : vector<512x512xf32>
    %select_n3A = arith.select %ge3A_55, %add3A_53, %mul3A_58 : vector<512x512xi1>, vector<512x512xf32>
    %get3A_59 = arith.constant 0 : index
    %get3A_60 = arith.constant 0 : index
    %get3A_61 = vector.load %arg12[%get3A_59, %get3A_60] : memref<512x8xf32, #tpu.memory_space<vmem>>, vector<512x8xf32>
    %dot_general3A_62 = arith.constant dense<0.000000e+00> : vector<512x8xf32>
    %dot_general3A_63 = tpu.matmul %select_n3A, %get3A_61, %dot_general3A_62 {dimension_numbers = #tpu.dot_dimension_numbers<[1], [0], [0], [1], [0, 0, 1, 1], [], []>, transpose_lhs_hint = false} : vector<512x512xf32>, vector<512x8xf32>, vector<512x8xf32> -> vector<512x8xf32>
    %reduce_max3A = arith.constant dense<0xFF800000> : vector<512xf32>
    %reduce_max3A_64 = vector.multi_reduction <maximumf>, %dot_general3A_63, %reduce_max3A [1] : vector<512x8xf32> to vector<512xf32>
    %broadcast_in_dim3A = vector.shape_cast %reduce_max3A_64 : vector<512xf32> to vector<512x1xf32>
    %sub3A_65 = vector.broadcast %broadcast_in_dim3A : vector<512x1xf32> to vector<512x8xf32>
    %sub3A_66 = arith.subf %dot_general3A_63, %sub3A_65 : vector<512x8xf32>
    %exp3A = math.exp %sub3A_66 : vector<512x8xf32>
    %reduce_sum3A = arith.constant dense<0.000000e+00> : vector<512xf32>
    %reduce_sum3A_67 = vector.multi_reduction <add>, %exp3A, %reduce_sum3A [1] : vector<512x8xf32> to vector<512xf32>
    %broadcast_in_dim3A_68 = vector.shape_cast %reduce_sum3A_67 : vector<512xf32> to vector<512x1xf32>
    %add3A_69 = arith.constant 1.000000e-16 : f32
    %add3A_70 = vector.broadcast %add3A_69 : f32 to vector<512x1xf32>
    %add3A_71 = arith.addf %broadcast_in_dim3A_68, %add3A_70 : vector<512x1xf32>
    %div3A = vector.broadcast %add3A_71 : vector<512x1xf32> to vector<512x8xf32>
    %div3A_72 = arith.divf %exp3A, %div3A : vector<512x8xf32>
    %get3A_73 = arith.constant 0 : index
    %get3A_74 = arith.constant 0 : index
    %get3A_75 = vector.load %arg13[%get3A_73, %get3A_74] : memref<8x512xf32, #tpu.memory_space<vmem>>, vector<8x512xf32>
    %dot_general3A_76 = arith.constant dense<0.000000e+00> : vector<512x512xf32>
    %dot_general3A_77 = tpu.matmul %div3A_72, %get3A_75, %dot_general3A_76 {dimension_numbers = #tpu.dot_dimension_numbers<[1], [0], [0], [1], [0, 0, 1, 1], [], []>, transpose_lhs_hint = false} : vector<512x8xf32>, vector<8x512xf32>, vector<512x512xf32> -> vector<512x512xf32>
    %mul3A_78 = arith.mulf %get3A_52, %dot_general3A_77 : vector<512x512xf32>
    %get3A_79 = arith.constant 0 : index
    %get3A_80 = arith.constant 0 : index
    %get3A_81 = vector.load %arg14[%get3A_79, %get3A_80] : memref<512x64xf32, #tpu.memory_space<vmem>>, vector<512x64xf32>
    %dot_general3A_82 = arith.constant dense<0.000000e+00> : vector<512x64xf32>
    %dot_general3A_83 = tpu.matmul %mul3A_78, %get3A_81, %dot_general3A_82 {dimension_numbers = #tpu.dot_dimension_numbers<[1], [0], [0], [1], [0, 0, 1, 1], [], []>, transpose_lhs_hint = false} : vector<512x512xf32>, vector<512x64xf32>, vector<512x64xf32> -> vector<512x64xf32>
    %get3A_84 = arith.constant 0 : index
    %get3A_85 = arith.constant 0 : index
    %get3A_86 = vector.load %arg15[%get3A_84, %get3A_85] : memref<1x64xf32, #tpu.memory_space<vmem>>, vector<1x64xf32>
    %add3A_87 = vector.broadcast %get3A_86 : vector<1x64xf32> to vector<512x64xf32>
    %add3A_88 = arith.addf %dot_general3A_83, %add3A_87 : vector<512x64xf32>
    %swap3A = arith.constant 0 : index
    %swap3A_89 = arith.constant 0 : index
    %swap3A_90 = vector.load %arg16[%swap3A, %swap3A_89] : memref<512x64xf32, #tpu.memory_space<vmem>>, vector<512x64xf32>
    tpu.vector_store %arg16[%swap3A, %swap3A_89], %add3A_88 {strides = array<i32>} : memref<512x64xf32, #tpu.memory_space<vmem>>, vector<512x64xf32>,
    return
  }
  func.func @transform_0(%arg0: i32) -> (i32, i32) {
    %c0_i32 = arith.constant 0 : i32
    %c0_i32_0 = arith.constant 0 : i32
    return %arg0, %c0_i32 : i32, i32
  }
  func.func @transform_1(%arg0: i32) -> (i32, i32) {
    %c0_i32 = arith.constant 0 : i32
    %c0_i32_0 = arith.constant 0 : i32
    return %arg0, %c0_i32 : i32, i32
  }
  func.func @transform_2(%arg0: i32) -> (i32, i32) {
    %c0_i32 = arith.constant 0 : i32
    %c0_i32_0 = arith.constant 0 : i32
    return %arg0, %c0_i32 : i32, i32
  }
  func.func @transform_3(%arg0: i32) -> (i32, i32) {
    %c0_i32 = arith.constant 0 : i32
    %c0_i32_0 = arith.constant 0 : i32
    return %arg0, %c0_i32 : i32, i32
  }
  func.func @transform_4(%arg0: i32) -> (i32, i32) {
    %c0_i32 = arith.constant 0 : i32
    %c0_i32_0 = arith.constant 0 : i32
    return %arg0, %c0_i32 : i32, i32
  }
  func.func @transform_5(%arg0: i32) -> (i32, i32) {
    %c0_i32 = arith.constant 0 : i32
    %c0_i32_0 = arith.constant 0 : i32
    return %arg0, %c0_i32 : i32, i32
  }
  func.func @transform_6(%arg0: i32) -> (i32, i32) {
    %c0_i32 = arith.constant 0 : i32
    %c0_i32_0 = arith.constant 0 : i32
    return %arg0, %c0_i32 : i32, i32
  }
  func.func @transform_7(%arg0: i32) -> (i32, i32) {
    %c0_i32 = arith.constant 0 : i32
    %c0_i32_0 = arith.constant 0 : i32
    return %arg0, %c0_i32 : i32, i32
  }
  func.func @transform_8(%arg0: i32) -> (i32, i32) {
    %c0_i32 = arith.constant 0 : i32
    %c0_i32_0 = arith.constant 0 : i32
    return %arg0, %c0_i32 : i32, i32
  }
  func.func @transform_9(%arg0: i32) -> (i32, i32) {
    %c0_i32 = arith.constant 0 : i32
    %c0_i32_0 = arith.constant 0 : i32
    return %arg0, %c0_i32 : i32, i32
  }
  func.func @transform_10(%arg0: i32) -> (i32, i32) {
    %c0_i32 = arith.constant 0 : i32
    %c0_i32_0 = arith.constant 0 : i32
    %c0_i32_1 = arith.constant 0 : i32
    return %c0_i32, %c0_i32_0 : i32, i32
  }
  func.func @transform_11(%arg0: i32) -> (i32, i32) {
    %c0_i32 = arith.constant 0 : i32
    %c0_i32_0 = arith.constant 0 : i32
    %c0_i32_1 = arith.constant 0 : i32
    return %c0_i32, %c0_i32_0 : i32, i32
  }
  func.func @transform_12(%arg0: i32) -> (i32, i32) {
    %c0_i32 = arith.constant 0 : i32
    %c0_i32_0 = arith.constant 0 : i32
    %c0_i32_1 = arith.constant 0 : i32
    return %c0_i32, %c0_i32_0 : i32, i32
  }
  func.func @transform_13(%arg0: i32) -> (i32, i32) {
    %c0_i32 = arith.constant 0 : i32
    %c0_i32_0 = arith.constant 0 : i32
    %c0_i32_1 = arith.constant 0 : i32
    return %c0_i32, %c0_i32_0 : i32, i32
  }
  func.func @transform_14(%arg0: i32) -> (i32, i32) {
    %c0_i32 = arith.constant 0 : i32
    %c0_i32_0 = arith.constant 0 : i32
    %c0_i32_1 = arith.constant 0 : i32
    return %c0_i32, %c0_i32_0 : i32, i32
  }
  func.func @transform_15(%arg0: i32) -> (i32, i32) {
    %c0_i32 = arith.constant 0 : i32
    %c0_i32_0 = arith.constant 0 : i32
    return %arg0, %c0_i32 : i32, i32
  }
}

</mosaic_0001>

<sc_bundles>
// kernel: kernel.11.cloned.1.call-start
scs
__scs_entry_jumppad:
0x0: {  	(pc) =	sbr.rel $0x88, $3  }
0x1: {  	(tag) =	ssettag $0x0;
	lr =	simm.s32 $0x1  }
0x2: {  	[smem:$0x3F88] =	sst lr;
	_ =	strace $0xD0000000  }
0x3: {  	_ = 	snop  }
0x4: {  	_ = 	snop  }
0x5: {  	_ = 	snop  }
0x6: {  	_ = 	snop  }
0x7: {  	_ = 	snop  }
__scs_overlays_trampoline_lowered:
0x8: {  	[smem:$0x3F97] =	sst s0  }
0x9: {  	[smem:$0x3F98] =	sst s1  }
0xa: {  	[smem:$0x3F99] =	sst s2  }
0xb: {  	[smem:$0x3F9A] =	sst s3  }
0xc: {  	[smem:$0x3F9B] =	sst s4  }
0xd: {  	[smem:$0x3F9C] =	sst s5  }
0xe: {  	[smem:$0x3F9D] =	sst s6  }
0xf: {  	[smem:$0x3F9E] =	sst s7  }
0x10: {  	[smem:$0x3F9F] =	sst s8  }
0x11: {  	[smem:$0x3FA0] =	sst s9;
	s0 =	simm.s32 @!p0 $0x0  }
0x12: {  	s1 =	sld [smem:$0x3F86];
	s0 =	simm.s32 @p0 $0x1  }
0x13: {  	[smem:$0x3FA1] =	sst s0;
	s0 =	simm.s32 @!p1 $0x0  }
0x14: {  	s2 =	sld [smem:$0x3F85];
	s0 =	simm.s32 @p1 $0x1  }
0x15: {  	[smem:$0x3FA2] =	sst s0;
	s0 =	simm.s32 @!p2 $0x0  }
0x16: {  	s3 =	sld [smem:$0x3FDB];
	s0 =	simm.s32 @p2 $0x1  }
0x17: {  	s4 =	simm.s32 $0x1BF5;
	[smem:$0x3FA4] =	sst s0  }
0x18: {  	s0 =	sld [smem:$0x3F87];
	_ =	swait.ge [sflag:s4], $0x0  }
0x19: {  	s7 =	sld [smem:$0x3F88]  }
0x1a: {  	s8 =	sadd.s32 $0xFFFFE003, lr  }
0x1b: {  	s9 =	sadd.s32 $0xFFFFFEF7, lr;
	s5 =	simm.s32 $0xFFFFFFFF;
	p2 =	slt.u32 s8, $0xFFFFF086  }
0x1c: {  	p1 =	slt.u32 s9, $0xF7A;
	s5 =	simm.s32 @!p2 $0x0  }
0x1d: {  	s5 =	simm.s32 @p1 $0x1;
	p0 =	seq.s32 s7, s2  }
0x1e: {  	s7 =	smul.u32 @!p0 $0xF7A, s2;
	p2 =	seq.s32 @!p0 s5, $0x0  }
0x1f: {  	s9 =	smul.u32 $0xF7A, s1;
	s8 =	simm.s32 @!p0 $0x1BF5;
	p2 =	por !p2, p0  }
0x20: {  	[sflag:s8] =	ssyncset.s32 @!p0 $0xFFFFF086;
	s6 =	sadd.s32 @!p0 s3, s7;
	s7 =	simm.s32 @!p0 $0x108  }
0x21: {  	s3 =	sadd.s32 s3, s9;
	s6 =	sadd.s32 @!p0 $0x88, s6;
	s7 =	simm.s32 @p2 $0x1082  }
0x22: {  	[simem:s7], [sflag:s8] =	dma.local @!p0 [hbm:s6], $0xF7A  }
0x23: {  	s9 =	sor.u32 $0xD0000000, s2;
	s6 =	simm.s32 $0x108;
	_ =	swait.ge @!p0 [sflag:s8], $0x0  }
0x24: {  	s3 =	sadd.s32 $0x88, s3;
	s6 =	simm.s32 @!p1 $0x1082;
	[sflag:s4] =	ssyncset.s32 $0xFFFFF086  }
0x25: {  	[simem:s6], [sflag:s4] =	dma.local [hbm:s3], $0xF7A  }
0x26: {  	[smem:$0x3F88] =	sst s1;
	(tag) =	ssettag s2;
	_ =	strace s9  }
0x27: {  	s1 =	sld [smem:$0x3F98]  }
0x28: {  	s2 =	sld [smem:$0x3F99]  }
0x29: {  	s4 =	sld [smem:$0x3F9B]  }
0x2a: {  	p0 =	seq.s32 s5, $0x0;
	s5 =	sld [smem:$0x3F9C]  }
0x2b: {  	s6 =	sld [smem:$0x3F9D]  }
0x2c: {  	s7 =	sld [smem:$0x3F9E]  }
0x2d: {  	s3 =	simm.s32 $0x108;
	s8 =	sld [smem:$0x3F9F]  }
0x2e: {  	s3 =	simm.s32 @!p0 $0x1082;
	s9 =	sld [smem:$0x3FA0]  }
0x2f: {  	lr =	sadd.s32 s0, s3;
	s0 =	sld [smem:$0x3F97]  }
0x30: {  	s3 =	sld [smem:$0x3F9A]  }
0x31: {  	[smem:$0x3FA3] =	sst s10  }
0x32: {  	s10 =	sld [smem:$0x3FA1];
	_ =	sdelay $0x3  }
0x33: {  	p0 =	seq.s32 s10, $0x1;
	s10 =	sld [smem:$0x3FA3];
	_ =	sdelay $0x3  }
0x34: {  	[smem:$0x3FA3] =	sst s10  }
0x35: {  	s10 =	sld [smem:$0x3FA2];
	_ =	sdelay $0x3  }
0x36: {  	p1 =	seq.s32 s10, $0x1;
	s10 =	sld [smem:$0x3FA3];
	_ =	sdelay $0x3  }
0x37: {  	[smem:$0x3FA3] =	sst s10  }
0x38: {  	s10 =	sld [smem:$0x3FA4]  }
0x39: {  	_ = 	snop;
	(pc) =	sbr.ind lr, $3  }
0x3a: {  	_ = 	snop  }
0x3b: {  	_ = 	snop  }
0x3c: {  	p2 =	seq.s32 s10, $0x1;
	s10 =	sld [smem:$0x3FA3]  }
0x3d: {  	_ =	shalt  }
0x3e: {  	_ =	shalt  }
0x3f: {  	_ =	shalt  }
0x40: {  	_ =	shalt  }
0x41: {  	_ =	shalt  }
0x42: {  	_ =	shalt  }
0x43: {  	_ =	shalt  }
0x44: {  	_ =	shalt  }
0x45: {  	_ =	shalt  }
0x46: {  	_ =	shalt  }
0x47: {  	_ =	shalt  }
0x48: {  	_ =	shalt  }
0x49: {  	_ =	shalt  }
0x4a: {  	_ =	shalt  }
0x4b: {  	_ =	shalt  }
0x4c: {  	_ =	shalt  }
0x4d: {  	_ =	shalt  }
0x4e: {  	_ =	shalt  }
0x4f: {  	_ =	shalt  }
0x50: {  	_ =	shalt  }
0x51: {  	_ =	shalt  }
0x52: {  	_ =	shalt  }
0x53: {  	_ =	shalt  }
0x54: {  	_ =	shalt  }
0x55: {  	_ =	shalt  }
0x56: {  	_ =	shalt  }
0x57: {  	_ =	shalt  }
0x58: {  	_ =	shalt  }
0x59: {  	_ =	shalt  }
0x5a: {  	_ =	shalt  }
0x5b: {  	_ =	shalt  }
0x5c: {  	_ =	shalt  }
0x5d: {  	_ =	shalt  }
0x5e: {  	_ =	shalt  }
0x5f: {  	_ =	shalt  }
0x60: {  	_ =	shalt  }
0x61: {  	_ =	shalt  }
0x62: {  	_ =	shalt  }
0x63: {  	_ =	shalt  }
0x64: {  	_ =	shalt  }
0x65: {  	_ =	shalt  }
0x66: {  	_ =	shalt  }
0x67: {  	_ =	shalt  }
0x68: {  	_ =	shalt  }
0x69: {  	_ =	shalt  }
0x6a: {  	_ =	shalt  }
0x6b: {  	_ =	shalt  }
0x6c: {  	_ =	shalt  }
0x6d: {  	_ =	shalt  }
0x6e: {  	_ =	shalt  }
0x6f: {  	_ =	shalt  }
0x70: {  	_ =	shalt  }
0x71: {  	_ =	shalt  }
0x72: {  	_ =	shalt  }
0x73: {  	_ =	shalt  }
0x74: {  	_ =	shalt  }
0x75: {  	_ =	shalt  }
0x76: {  	_ =	shalt  }
0x77: {  	_ =	shalt  }
0x78: {  	_ =	shalt  }
0x79: {  	_ =	shalt  }
0x7a: {  	_ =	shalt  }
0x7b: {  	_ =	shalt  }
0x7c: {  	_ =	shalt  }
0x7d: {  	_ =	shalt  }
0x7e: {  	_ =	shalt  }
0x7f: {  	_ =	shalt  }
0x80: {  	_ =	shalt  }
0x81: {  	_ =	shalt  }
0x82: {  	_ =	shalt  }
0x83: {  	_ =	shalt  }
0x84: {  	_ =	shalt  }
0x85: {  	_ =	shalt  }
0x86: {  	_ =	shalt  }
0x87: {  	_ =	shalt  }
.Lfunc_end0:
.L_simem_size_0:
called_computation_lowered:
.L_overlay_start_0:
0x88: {  	s2 =	sld [smem:$0x3FD9]  }
0x89: {  	s3 =	sld [smem:$0x3FFE];
	_ =	sdelay $0x1  }
0x8a: {  	s1 =	srdreg.scid  }
0x8b: {  	s0 =	sand.u32 $0x1, s1  }
0x8c: {  	s16 =	sshll.u32 s0, $0xA;
	s2 =	sadd.s32 s3, s2  }
0x8d: {  	s2 =	sadd.s32 s2, s16  }
0x8e: {  	[smem:$0x3FAF] =	sst s2  }
0x8f: {  	_ = 	snop  }
0x90: {  	(tm) =	ssettm $0x1  }
0x91: {  	s17 =	sld [smem:$0x3FFB];
	_ =	sdelay $0x3  }
0x92: {  	_ =	strace s17  }
0x93: {  	s2 =	sld [smem:$0x3FFC];
	_ =	sdelay $0x3  }
0x94: {  	_ =	strace s2  }
0x95: {  	s2 =	sld [smem:$0x3FFD];
	_ =	sdelay $0x3  }
0x96: {  	_ =	strace s2  }
0x97: {  	_ =	strace $0x8FFFFFFF  }
0x98: {  	s18 =	sld [smem:$0x3FDB];
	_ =	sdelay $0x1  }
0x99: {  	s19 =	simm.s32 $_scs_section_size  }
0x9a: {  	s4 =	simm.s32 $_size__tile_overlayer_lowered;
	s5 =	simm.s32 $_tile_overlayer_lowered  }
0x9b: {  	s22 =	simm.s32 $0x1BFF;
	s21 =	sshll.u32 s5, $0x1;
	s2 =	sadd.s32 s19, s18  }
0x9c: {  	s6 =	simm.s32 $0x0;
	s20 =	sshll.u32 s4, $0x1;
	s4 =	sadd.s32 s21, s2  }
0x9d: {  	[timem:s6], [sflag:s22] =	dma.local [hbm:s4], s20  }
0x9e: {  	_ =	swait.ge [sflag:s22], s20  }
0x9f: {  	s3 =	ssub.s32 $0x0, s20;
	[sflag:s22] =	ssyncset.done $0x0  }
0xa0: {  	[sflag:s22] =	ssyncadd.s32 s3;
	_ =	sdelay $0x1  }
0xa1: {  	s23 =	simm.s32 $0x1B8B  }
0xa2: {  	_ =	swait.ge [sflag:s23], $0x1  }
0xa3: {  	[sflag:s23] =	ssyncset.done $0x0  }
0xa4: {  	s25 =	simm.s32 $0x1B8E;
	s24 =	sld [smem:$0x3FFE];
	[sflag:s23] =	ssyncadd.s32 $0xFFFFFFFF  }
0xa5: {  	s26 =	simm.s32 $execute0_lowered;
	[smem:$0x3FD2] =	sst s25  }
0xa6: {  	s4 =	sshll.u32 s26, $0x1;
	_ =	strace $0x80000046;
	[dreg:$0x1] =	wrdreg $0xFFFFFFFF  }
0xa7: {  	s28 =	simm.s32 $_size_execute0_lowered;
	s2 =	sadd.s32 s2, s4;
	[dreg:$0x0] =	wrdreg $0x0  }
0xa8: {  	s4 =	sshll.u32 s28, $0x1;
	[dreg:$0x2] =	wrdreg s2  }
0xa9: {  	[dreg:$0x3] =	wrdreg s4  }
0xaa: {  	[dreg:$0x4] =	wrdreg $0xC0  }
0xab: {  	_ =	task [dreg:s6], $0x5FFFF  }
0xac: {  	[dreg:$0x1] =	wrdreg $0xFFFFFFFF  }
0xad: {  	[dreg:$0x0] =	wrdreg $0x60  }
0xae: {  	[dreg:$0x2] =	wrdreg s24  }
0xaf: {  	[dreg:$0x3] =	wrdreg $0x9  }
0xb0: {  	_ =	task.clear_ibuf [dreg:s6], $0x4FFFF;
	_ =	strace $0x90000046  }
0xb1: {  	s29 =	simm.s32 $0x9;
	_ =	strace $0x80000048  }
0xb2: {  	_ =	swait.ge [sflag:s29], $0x1  }
0xb3: {  	[sflag:s29] =	ssyncadd.s32 $0xFFFFFFFF  }
0xb4: {  	_ =	strace $0x90000048  }
0xb5: {  	_ =	sfence  }
0xb6: {  	s30 =	sld [smem:$0x0];
	_ =	sdelay $0x2  }
0xb7: {  	s31 =	sshll.u32 s1, $0xD;
	s1 =	sshrl.u32 s1, $0x2  }
0xb8: {  	s3 =	sand.u32 $0x4000, s31;
	s1 =	sadd.s32 s1, s30  }
0xb9: {  	s0 =	sor.u32 s3, s0;
	s1 =	sshll.u32 s1, $0x11  }
0xba: {  	s0 =	sor.u32 s1, s0  }
0xbb: {  	s0 =	sadd.s32 $0x8F2B, s0  }
0xbc: {  	[sflag:s0] =	ssyncadd.remote.s32 $0x1  }
0xbd: {  	_ =	sfence.sel $0xFFFF  }
0xbe: {  	[dreg:$0x0] =	wrdreg $0xFFFFFFFF;
	(pc) =	sbr.abs _section_cstart, $3  }
0xbf: {  	[dreg:$0x1] =	wrdreg $0xFFFFFFFF  }
0xc0: {  	_ =	task.clear_ibuf [dreg:s6], $0x2FFFF;
	_ =	strace $0x9FFFFFFF  }
0xc1: {  	(tm) =	ssettm $0x7FFFFFFF  }
tec
execute0_lowered:
.L_overlay_start_1:
0x0: {  	(tag) =	ssettag $0x1  }
0x1: {  	s4 =	rddreg [dreg:$0x0]  }
0x2: {  	s0 =	rddreg [dreg:$0x1];
	s2 =	simm.s32 $0x0;
	s3 =	srdreg.scid  }
0x3: {  	s1 =	stileid.u32;
	s9 =	simm.s32 $0x1;
	s10 =	simm.s32 $0x0  }
0x4: {  	[smem:$0x7FF] =	sst s2;
	s3 =	sand.u32 $0x1, s3;
	s5 =	sshll.u32 s1, $0xD  }
0x5: {  	s6 =	sshll.u32 s3, $0xC;
	s7 =	ssub.s32 $0x2, s3;
	_ =	strace $0x80000047  }
0x6: {  	s3 =	sadd.s32 $0x8A00, s4;
	s5 =	sor.u32 s6, s5;
	s29 =	sshrl.u32 s7, $0x1  }
0x7: {  	s8 =	sshrl.u32 s5, $0x3;
	s6 =	ssub.s32 s7, s29;
	s31 =	sadd.s32 s5, s4  }
0x8: {  	s7 =	simm.s32 $0x2;
	s30 =	sadd.s32 s8, s4;
	s4 =	smax.u32 s6, $0x1  }
0x9: {  	s6 =	sadd.s32 $0xCA00, s31;
	s8 =	simm.s32 $0x80;
	s5 =	sadd.s32 $0x4A00, s30  }
.LBB2_1:
0xa: {  	s11 =	sadd.s32 $0x0, s5  }
0xb: {  	[tilespmem:s2], [sflag:$0x2] =	stream.linear.gather [hbm4b:s11+s2], $0x80, $0x38;
	[tilespmem:$0x480] =	vst v63  }
0xc: {  	_ =	swait.ge [sflag:s7], $0x80  }
0xd: {  	[sflag:s7] =	ssyncset.done $0x0  }
0xe: {  	[sflag:s7] =	ssyncadd.s32 $0xFFFFFF80  }
0xf: {  	[tilespmem:s8], [sflag:$0x1] =	stream.indirect.gather [hbm4b:s3+s8], $0x4, s2, s8, $0xb8;
	[tilespmem:$0x480] =	vst v63  }
0x10: {  	_ =	swait.ge [sflag:s9], $0x200  }
0x11: {  	[sflag:s9] =	ssyncset.done $0x0  }
0x12: {  	[sflag:s9] =	ssyncadd.s32 $0xFFFFFE00  }
0x13: {  	[hbm4b:s6+s2] =	stream.linear.scatter [tilespmem:s8], [sflag:$0x2], $0x400, $0x38;
	[tilespmem:$0x480] =	vst v63  }
0x14: {  	s12 =	simm.s32 $0x10;
	_ =	swait.ge [sflag:s7], $0x400  }
0x15: {  	s13 =	simm.s32 $0x20;
	s11 =	sadd.s32 $0x80, s6;
	[sflag:s7] =	ssyncset.done $0x0  }
.LBB2_2:
0x16: {  	s14 =	sadd.s32 s12, s5  }
0x17: {  	[sflag:s7] =	ssyncadd.s32 $0xFFFFFC00;
	s12 =	smov.u32 s13;
	s15 =	sadd.s32 $0x10, s13  }
0x18: {  	[tilespmem:s2], [sflag:$0x2] =	stream.linear.gather [hbm4b:s14+s2], $0x80, $0x38;
	[tilespmem:$0x480] =	vst v63  }
0x19: {  	p0 =	sne.s32 s13, $0x1F0;
	_ =	swait.ge [sflag:s7], $0x80  }
0x1a: {  	[sflag:s7] =	ssyncset.done $0x0  }
0x1b: {  	[sflag:s7] =	ssyncadd.s32 $0xFFFFFF80  }
0x1c: {  	[tilespmem:s8], [sflag:$0x1] =	stream.indirect.gather [hbm4b:s3+s8], $0x4, s2, s8, $0xb8;
	[tilespmem:$0x480] =	vst v63  }
0x1d: {  	_ =	swait.ge [sflag:s9], $0x200  }
.Ltmp0:
0x1e: {  	[sflag:s9] =	ssyncset.done $0x0;
	(pc) =	sbr.rel @p0 .LBB2_2-.Ltmp0, $4  }
0x1f: {  	[sflag:s9] =	ssyncadd.s32 $0xFFFFFE00  }
0x20: {  	[hbm4b:s11+s2] =	stream.linear.scatter [tilespmem:s8], [sflag:$0x2], $0x400, $0x38;
	[tilespmem:$0x480] =	vst v63  }
0x21: {  	_ =	swait.ge [sflag:s7], $0x400  }
0x22: {  	s13 =	smov.u32 s15;
	s11 =	sadd.s32 $0x80, s11;
	[sflag:s7] =	ssyncset.done $0x0  }
0x23: {  	s12 =	sadd.s32 s12, s5;
	[sflag:s7] =	ssyncadd.s32 $0xFFFFFC00  }
0x24: {  	[tilespmem:s2], [sflag:$0x2] =	stream.linear.gather [hbm4b:s12+s2], $0x80, $0x38;
	[tilespmem:$0x480] =	vst v63  }
0x25: {  	_ =	swait.ge [sflag:s7], $0x80  }
0x26: {  	[sflag:s7] =	ssyncset.done $0x0  }
0x27: {  	[sflag:s7] =	ssyncadd.s32 $0xFFFFFF80  }
0x28: {  	[tilespmem:s8], [sflag:$0x1] =	stream.indirect.gather [hbm4b:s3+s8], $0x4, s2, s8, $0xb8;
	[tilespmem:$0x480] =	vst v63  }
0x29: {  	s10 =	sadd.s32 $0x1, s10;
	_ =	swait.ge [sflag:s9], $0x200  }
0x2a: {  	p0 =	sne.s32 s10, s4;
	[sflag:s9] =	ssyncset.done $0x0  }
.Ltmp1:
0x2b: {  	[sflag:s9] =	ssyncadd.s32 $0xFFFFFE00;
	(pc) =	sbr.rel @p0 .LBB2_1-.Ltmp1, $4  }
0x2c: {  	[hbm4b:s11+s2] =	stream.linear.scatter [tilespmem:s8], [sflag:$0x2], $0x400, $0x38;
	[tilespmem:$0x480] =	vst v63  }
0x2d: {  	_ =	swait.ge [sflag:s7], $0x400  }
0x2e: {  	[sflag:s7] =	ssyncset.done $0x0  }
0x2f: {  	[sflag:s7] =	ssyncadd.s32 $0xFFFFFC00  }
0x30: {  	_ =	sfence.sel $0x180000  }
0x31: {  	[bflag:$0x0] =	sbarrier.arrive $0xFFFF  }
0x32: {  	p0 =	sne.s32 s1, $0x0;
	_ =	strace $0x90000047  }
0x33: {  	s0 =	sadd.s32 @!p0 $0x100000, s0;
	[bflag:$0x2] =	sbarrier.arrive $0xFFFF  }
0x34: {  	[sflag:s0] =	ssyncadd.tile.s32 @!p0 $0x1;
	_ =	shalt  }
.Lfunc_end2:
_tile_overlayer_lowered:
.L_overlay_start_2:
0x35: {  	(tag) =	ssettag $0x2  }
0x36: {  	s0 =	rddreg [dreg:$0x0];
	s2 =	stileid.u32  }
0x37: {  	s1 =	rddreg [dreg:$0x1];
	p0 =	sne.s32 s2, $0x0  }
0x38: {  	s3 =	rddreg [dreg:$0x2];
	[bflag:$0x3] =	sbarrier.arrive $0xFFFF;
	s2 =	simm.s32 @!p0 $0x1C02  }
0x39: {  	[timem:s3], [sflag:s2] =	dma.local @!p0 [hbm:s0], s1  }
0x3a: {  	s0 =	simm.s32 @!p0 $0x2  }
0x3b: {  	_ =	swait.ge @!p0 [sflag:s0], s1  }
0x3c: {  	s1 =	ssub.s32 @!p0 $0x0, s1;
	[sflag:s0] =	ssyncset.done @!p0 $0x0  }
0x3d: {  	[sflag:s0] =	ssyncadd.s32 @!p0 s1  }
0x3e: {  	[bflag:$0x3] =	sbarrier.arrive $0xFFFF  }
0x3f: {  	_ =	shalt  }

// kernel: kernel.14.cloned.1.call-start
scs
__scs_entry_jumppad:
0x0: {  	(pc) =	sbr.rel $0x88, $3  }
0x1: {  	(tag) =	ssettag $0x0;
	lr =	simm.s32 $0x1  }
0x2: {  	[smem:$0x3F88] =	sst lr;
	_ =	strace $0xD0000000  }
0x3: {  	_ = 	snop  }
0x4: {  	_ = 	snop  }
0x5: {  	_ = 	snop  }
0x6: {  	_ = 	snop  }
0x7: {  	_ = 	snop  }
__scs_overlays_trampoline_lowered:
0x8: {  	[smem:$0x3F97] =	sst s0  }
0x9: {  	[smem:$0x3F98] =	sst s1  }
0xa: {  	[smem:$0x3F99] =	sst s2  }
0xb: {  	[smem:$0x3F9A] =	sst s3  }
0xc: {  	[smem:$0x3F9B] =	sst s4  }
0xd: {  	[smem:$0x3F9C] =	sst s5  }
0xe: {  	[smem:$0x3F9D] =	sst s6  }
0xf: {  	[smem:$0x3F9E] =	sst s7  }
0x10: {  	[smem:$0x3F9F] =	sst s8  }
0x11: {  	[smem:$0x3FA0] =	sst s9;
	s0 =	simm.s32 @!p0 $0x0  }
0x12: {  	s1 =	sld [smem:$0x3F86];
	s0 =	simm.s32 @p0 $0x1  }
0x13: {  	[smem:$0x3FA1] =	sst s0;
	s0 =	simm.s32 @!p1 $0x0  }
0x14: {  	s2 =	sld [smem:$0x3F85];
	s0 =	simm.s32 @p1 $0x1  }
0x15: {  	[smem:$0x3FA2] =	sst s0;
	s0 =	simm.s32 @!p2 $0x0  }
0x16: {  	s3 =	sld [smem:$0x3FDB];
	s0 =	simm.s32 @p2 $0x1  }
0x17: {  	s4 =	simm.s32 $0x1BF5;
	[smem:$0x3FA4] =	sst s0  }
0x18: {  	s0 =	sld [smem:$0x3F87];
	_ =	swait.ge [sflag:s4], $0x0  }
0x19: {  	s7 =	sld [smem:$0x3F88]  }
0x1a: {  	s8 =	sadd.s32 $0xFFFFE003, lr  }
0x1b: {  	s9 =	sadd.s32 $0xFFFFFEF7, lr;
	s5 =	simm.s32 $0xFFFFFFFF;
	p2 =	slt.u32 s8, $0xFFFFF086  }
0x1c: {  	p1 =	slt.u32 s9, $0xF7A;
	s5 =	simm.s32 @!p2 $0x0  }
0x1d: {  	s5 =	simm.s32 @p1 $0x1;
	p0 =	seq.s32 s7, s2  }
0x1e: {  	s7 =	smul.u32 @!p0 $0xF7A, s2;
	p2 =	seq.s32 @!p0 s5, $0x0  }
0x1f: {  	s9 =	smul.u32 $0xF7A, s1;
	s8 =	simm.s32 @!p0 $0x1BF5;
	p2 =	por !p2, p0  }
0x20: {  	[sflag:s8] =	ssyncset.s32 @!p0 $0xFFFFF086;
	s6 =	sadd.s32 @!p0 s3, s7;
	s7 =	simm.s32 @!p0 $0x108  }
0x21: {  	s3 =	sadd.s32 s3, s9;
	s6 =	sadd.s32 @!p0 $0x88, s6;
	s7 =	simm.s32 @p2 $0x1082  }
0x22: {  	[simem:s7], [sflag:s8] =	dma.local @!p0 [hbm:s6], $0xF7A  }
0x23: {  	s9 =	sor.u32 $0xD0000000, s2;
	s6 =	simm.s32 $0x108;
	_ =	swait.ge @!p0 [sflag:s8], $0x0  }
0x24: {  	s3 =	sadd.s32 $0x88, s3;
	s6 =	simm.s32 @!p1 $0x1082;
	[sflag:s4] =	ssyncset.s32 $0xFFFFF086  }
0x25: {  	[simem:s6], [sflag:s4] =	dma.local [hbm:s3], $0xF7A  }
0x26: {  	[smem:$0x3F88] =	sst s1;
	(tag) =	ssettag s2;
	_ =	strace s9  }
0x27: {  	s1 =	sld [smem:$0x3F98]  }
0x28: {  	s2 =	sld [smem:$0x3F99]  }
0x29: {  	s4 =	sld [smem:$0x3F9B]  }
0x2a: {  	p0 =	seq.s32 s5, $0x0;
	s5 =	sld [smem:$0x3F9C]  }
0x2b: {  	s6 =	sld [smem:$0x3F9D]  }
0x2c: {  	s7 =	sld [smem:$0x3F9E]  }
0x2d: {  	s3 =	simm.s32 $0x108;
	s8 =	sld [smem:$0x3F9F]  }
0x2e: {  	s3 =	simm.s32 @!p0 $0x1082;
	s9 =	sld [smem:$0x3FA0]  }
0x2f: {  	lr =	sadd.s32 s0, s3;
	s0 =	sld [smem:$0x3F97]  }
0x30: {  	s3 =	sld [smem:$0x3F9A]  }
0x31: {  	[smem:$0x3FA3] =	sst s10  }
0x32: {  	s10 =	sld [smem:$0x3FA1];
	_ =	sdelay $0x3  }
0x33: {  	p0 =	seq.s32 s10, $0x1;
	s10 =	sld [smem:$0x3FA3];
	_ =	sdelay $0x3  }
0x34: {  	[smem:$0x3FA3] =	sst s10  }
0x35: {  	s10 =	sld [smem:$0x3FA2];
	_ =	sdelay $0x3  }
0x36: {  	p1 =	seq.s32 s10, $0x1;
	s10 =	sld [smem:$0x3FA3];
	_ =	sdelay $0x3  }
0x37: {  	[smem:$0x3FA3] =	sst s10  }
0x38: {  	s10 =	sld [smem:$0x3FA4]  }
0x39: {  	_ = 	snop;
	(pc) =	sbr.ind lr, $3  }
0x3a: {  	_ = 	snop  }
0x3b: {  	_ = 	snop  }
0x3c: {  	p2 =	seq.s32 s10, $0x1;
	s10 =	sld [smem:$0x3FA3]  }
0x3d: {  	_ =	shalt  }
0x3e: {  	_ =	shalt  }
0x3f: {  	_ =	shalt  }
0x40: {  	_ =	shalt  }
0x41: {  	_ =	shalt  }
0x42: {  	_ =	shalt  }
0x43: {  	_ =	shalt  }
0x44: {  	_ =	shalt  }
0x45: {  	_ =	shalt  }
0x46: {  	_ =	shalt  }
0x47: {  	_ =	shalt  }
0x48: {  	_ =	shalt  }
0x49: {  	_ =	shalt  }
0x4a: {  	_ =	shalt  }
0x4b: {  	_ =	shalt  }
0x4c: {  	_ =	shalt  }
0x4d: {  	_ =	shalt  }
0x4e: {  	_ =	shalt  }
0x4f: {  	_ =	shalt  }
0x50: {  	_ =	shalt  }
0x51: {  	_ =	shalt  }
0x52: {  	_ =	shalt  }
0x53: {  	_ =	shalt  }
0x54: {  	_ =	shalt  }
0x55: {  	_ =	shalt  }
0x56: {  	_ =	shalt  }
0x57: {  	_ =	shalt  }
0x58: {  	_ =	shalt  }
0x59: {  	_ =	shalt  }
0x5a: {  	_ =	shalt  }
0x5b: {  	_ =	shalt  }
0x5c: {  	_ =	shalt  }
0x5d: {  	_ =	shalt  }
0x5e: {  	_ =	shalt  }
0x5f: {  	_ =	shalt  }
0x60: {  	_ =	shalt  }
0x61: {  	_ =	shalt  }
0x62: {  	_ =	shalt  }
0x63: {  	_ =	shalt  }
0x64: {  	_ =	shalt  }
0x65: {  	_ =	shalt  }
0x66: {  	_ =	shalt  }
0x67: {  	_ =	shalt  }
0x68: {  	_ =	shalt  }
0x69: {  	_ =	shalt  }
0x6a: {  	_ =	shalt  }
0x6b: {  	_ =	shalt  }
0x6c: {  	_ =	shalt  }
0x6d: {  	_ =	shalt  }
0x6e: {  	_ =	shalt  }
0x6f: {  	_ =	shalt  }
0x70: {  	_ =	shalt  }
0x71: {  	_ =	shalt  }
0x72: {  	_ =	shalt  }
0x73: {  	_ =	shalt  }
0x74: {  	_ =	shalt  }
0x75: {  	_ =	shalt  }
0x76: {  	_ =	shalt  }
0x77: {  	_ =	shalt  }
0x78: {  	_ =	shalt  }
0x79: {  	_ =	shalt  }
0x7a: {  	_ =	shalt  }
0x7b: {  	_ =	shalt  }
0x7c: {  	_ =	shalt  }
0x7d: {  	_ =	shalt  }
0x7e: {  	_ =	shalt  }
0x7f: {  	_ =	shalt  }
0x80: {  	_ =	shalt  }
0x81: {  	_ =	shalt  }
0x82: {  	_ =	shalt  }
0x83: {  	_ =	shalt  }
0x84: {  	_ =	shalt  }
0x85: {  	_ =	shalt  }
0x86: {  	_ =	shalt  }
0x87: {  	_ =	shalt  }
.Lfunc_end0:
.L_simem_size_0:
called_computation.1_lowered:
.L_overlay_start_0:
0x88: {  	s2 =	sld [smem:$0x3FD9]  }
0x89: {  	s3 =	sld [smem:$0x3FFE];
	_ =	sdelay $0x1  }
0x8a: {  	s1 =	srdreg.scid  }
0x8b: {  	s0 =	sand.u32 $0x1, s1  }
0x8c: {  	s17 =	sshll.u32 s0, $0xA;
	s2 =	sadd.s32 s3, s2  }
0x8d: {  	s2 =	sadd.s32 s2, s17  }
0x8e: {  	[smem:$0x3FAF] =	sst s2  }
0x8f: {  	_ = 	snop  }
0x90: {  	s18 =	sld [smem:$0x3FD0];
	(tm) =	ssettm $0x1  }
0x91: {  	s19 =	sld [smem:$0x3FFB];
	_ =	sdelay $0x3  }
0x92: {  	_ =	strace s19  }
0x93: {  	s2 =	sld [smem:$0x3FFC];
	_ =	sdelay $0x3  }
0x94: {  	_ =	strace s2  }
0x95: {  	s2 =	sld [smem:$0x3FFD];
	_ =	sdelay $0x3  }
0x96: {  	_ =	strace s2  }
0x97: {  	_ =	strace $0x8FFFFFFF  }
0x98: {  	s20 =	sld [smem:$0x3FDB];
	_ =	sdelay $0x1  }
0x99: {  	s4 =	simm.s32 $_scs_section_size  }
0x9a: {  	s5 =	simm.s32 $_size__tile_overlayer_lowered;
	s6 =	simm.s32 $_tile_overlayer_lowered  }
0x9b: {  	s7 =	simm.s32 $0x1BFF;
	s21 =	sshll.u32 s6, $0x1;
	s4 =	sadd.s32 s4, s20  }
0x9c: {  	s22 =	simm.s32 $0x0;
	s5 =	sshll.u32 s5, $0x1;
	s6 =	sadd.s32 s21, s4  }
0x9d: {  	[timem:s22], [sflag:s7] =	dma.local [hbm:s6], s5  }
0x9e: {  	_ =	swait.ge [sflag:s7], s5  }
0x9f: {  	s5 =	ssub.s32 $0x0, s5;
	[sflag:s7] =	ssyncset.done $0x0  }
0xa0: {  	[sflag:s7] =	ssyncadd.s32 s5;
	_ =	sdelay $0x1  }
0xa1: {  	s23 =	simm.s32 $0x1B8B  }
0xa2: {  	_ =	swait.ge [sflag:s23], $0x1  }
0xa3: {  	[sflag:s23] =	ssyncset.done $0x0  }
0xa4: {  	[sflag:s23] =	ssyncadd.s32 $0xFFFFFFFF  }
0xa5: {  	s5 =	sld [smem:$0x0]  }
0xa6: {  	s6 =	sand.u32 $0xFFFFFFFE, s1  }
0xa7: {  	p0 =	sne.s32 s1, s6  }
0xa8: {  	s6 =	sshll.u32 @p0 s6, $0xE  }
0xa9: {  	s6 =	sadd.s32 @p0 $0x11B8D, s6;
	s7 =	sshll.u32 @p0 s5, $0x11  }
0xaa: {  	s6 =	sor.u32 @p0 s7, s6  }
0xab: {  	[sflag:s6] =	ssyncadd.remote.s32 @p0 $0x1;
	_ =	sdelay $0x1  }
0xac: {  	s6 =	simm.s32 @p0 $0x1B8D  }
0xad: {  	_ =	swait.eq @p0 [sflag:s6], $0x1  }
0xae: {  	[sflag:s6] =	ssyncadd.s32 @p0 $0xFFFFFFFF  }
0xaf: {  	s7 =	sshll.u32 @!p0 s1, $0xE  }
0xb0: {  	s7 =	sor.u32 @!p0 $0x4000, s7;
	s6 =	simm.s32 @!p0 $0x1B8D  }
0xb1: {  	s5 =	sshll.u32 @!p0 s5, $0x11;
	s7 =	sadd.s32 @!p0 $0x11B8D, s7;
	_ =	swait.eq @!p0 [sflag:s6], $0x1  }
0xb2: {  	s5 =	sor.u32 @!p0 s5, s7;
	[sflag:s6] =	ssyncadd.s32 @!p0 $0xFFFFFFFF  }
0xb3: {  	s25 =	simm.s32 $0x1B8E;
	s24 =	sld [smem:$0x3FFE];
	[sflag:s5] =	ssyncadd.remote.s32 @!p0 $0x1  }
0xb4: {  	s26 =	simm.s32 $execute0_lowered;
	[smem:$0x3FD2] =	sst s25  }
0xb5: {  	s6 =	sshll.u32 s26, $0x1;
	_ =	strace $0x80000049;
	[dreg:$0x1] =	wrdreg $0xFFFFFFFF  }
0xb6: {  	s28 =	simm.s32 $_size_execute0_lowered;
	s4 =	sadd.s32 s4, s6;
	[dreg:$0x0] =	wrdreg $0x0  }
0xb7: {  	s6 =	sshll.u32 s28, $0x1;
	[dreg:$0x2] =	wrdreg s4  }
0xb8: {  	[dreg:$0x3] =	wrdreg s6  }
0xb9: {  	[dreg:$0x4] =	wrdreg $0xC0  }
0xba: {  	_ =	task [dreg:s22], $0x5FFFF  }
0xbb: {  	[dreg:$0x1] =	wrdreg $0xFFFFFFFF  }
0xbc: {  	[dreg:$0x0] =	wrdreg $0x60  }
0xbd: {  	[dreg:$0x2] =	wrdreg s18  }
0xbe: {  	[dreg:$0x3] =	wrdreg s24  }
0xbf: {  	[dreg:$0x4] =	wrdreg $0xA  }
0xc0: {  	_ =	task.clear_ibuf [dreg:s22], $0x5FFFF;
	_ =	strace $0x90000049  }
0xc1: {  	s29 =	simm.s32 $0xA;
	_ =	strace $0x8000004B  }
0xc2: {  	_ =	swait.ge [sflag:s29], $0x1  }
0xc3: {  	[sflag:s29] =	ssyncadd.s32 $0xFFFFFFFF  }
0xc4: {  	_ =	strace $0x9000004B  }
0xc5: {  	_ =	sfence  }
0xc6: {  	s30 =	sld [smem:$0x0];
	_ =	sdelay $0x2  }
0xc7: {  	s31 =	sshll.u32 s1, $0xD;
	s1 =	sshrl.u32 s1, $0x2  }
0xc8: {  	s4 =	sand.u32 $0x4000, s31;
	s1 =	sadd.s32 s1, s30  }
0xc9: {  	s0 =	sor.u32 s4, s0;
	s1 =	sshll.u32 s1, $0x11  }
0xca: {  	s0 =	sor.u32 s1, s0  }
0xcb: {  	s0 =	sadd.s32 $0x8F2B, s0  }
0xcc: {  	[sflag:s0] =	ssyncadd.remote.s32 $0x1  }
0xcd: {  	_ =	sfence.sel $0xFFFF  }
0xce: {  	[dreg:$0x0] =	wrdreg $0xFFFFFFFF;
	(pc) =	sbr.abs _section_cstart, $3  }
0xcf: {  	[dreg:$0x1] =	wrdreg $0xFFFFFFFF  }
0xd0: {  	_ =	task.clear_ibuf [dreg:s22], $0x2FFFF;
	_ =	strace $0x9FFFFFFF  }
0xd1: {  	(tm) =	ssettm $0x7FFFFFFF  }
tec
execute0_lowered:
.L_overlay_start_1:
0x0: {  	(tag) =	ssettag $0x1  }
0x1: {  	s1 =	rddreg [dreg:$0x0]  }
0x2: {  	s4 =	rddreg [dreg:$0x1]  }
0x3: {  	s0 =	rddreg [dreg:$0x2];
	s5 =	srdreg.scid  }
0x4: {  	s3 =	simm.s32 $0x0;
	s2 =	stileid.u32;
	s10 =	simm.s32 $0x0  }
0x5: {  	s5 =	sand.u32 $0x1, s5;
	[smem:$0x7FF] =	sst s3;
	s6 =	sshll.u32 s2, $0xD  }
0x6: {  	s8 =	sshll.u32 s2, $0x10;
	s7 =	sshll.u32 s5, $0xC;
	_ =	strace $0x8000004A  }
0x7: {  	s31 =	ssub.s32 $0x2, s5;
	s8 =	sadd.s32 s8, s4;
	s5 =	sshll.u32 s5, $0xF  }
0x8: {  	s6 =	sor.u32 s7, s6;
	s9 =	sshrl.u32 s31, $0x1;
	s5 =	sadd.s32 s5, s8  }
0x9: {  	s8 =	simm.s32 $0x80;
	s6 =	sshrl.u32 s6, $0x3;
	s7 =	ssub.s32 s31, s9  }
0xa: {  	s5 =	sadd.s32 $0x6CA00, s5;
	s9 =	simm.s32 $0x1;
	s6 =	sadd.s32 s6, s4  }
0xb: {  	s4 =	smax.u32 s7, $0x1;
	s7 =	simm.s32 $0x2;
	s6 =	sadd.s32 $0x4A00, s6  }
.LBB2_1:
0xc: {  	s11 =	sadd.s32 $0x0, s6  }
0xd: {  	[tilespmem:s3], [sflag:$0x2] =	stream.linear.gather [hbm4b:s11+s3], $0x80, $0x38;
	[tilespmem:$0x2080] =	vst v63  }
0xe: {  	_ =	swait.ge [sflag:s7], $0x80  }
0xf: {  	[sflag:s7] =	ssyncset.done $0x0  }
0x10: {  	[sflag:s7] =	ssyncadd.s32 $0xFFFFFF80  }
0x11: {  	[tilespmem:s8], [sflag:$0x1] =	stream.indirect.gather [hbm4b:s1+s8], $0x40, s3, s8, $0xb8;
	[tilespmem:$0x2080] =	vst v63  }
0x12: {  	_ =	swait.ge [sflag:s9], $0x2000  }
0x13: {  	[sflag:s9] =	ssyncset.done $0x0  }
0x14: {  	[sflag:s9] =	ssyncadd.s32 $0xFFFFE000  }
0x15: {  	[hbm4b:s5+s3] =	stream.linear.scatter [tilespmem:s8], [sflag:$0x2], $0x2000, $0x38;
	[tilespmem:$0x2080] =	vst v63  }
0x16: {  	s12 =	simm.s32 $0x10;
	_ =	swait.ge [sflag:s7], $0x2000  }
0x17: {  	s13 =	simm.s32 $0x20;
	s11 =	sadd.s32 $0x400, s5;
	[sflag:s7] =	ssyncset.done $0x0  }
.LBB2_2:
0x18: {  	s14 =	sadd.s32 s12, s6  }
0x19: {  	[sflag:s7] =	ssyncadd.s32 $0xFFFFE000;
	s12 =	smov.u32 s13;
	s15 =	sadd.s32 $0x10, s13  }
0x1a: {  	[tilespmem:s3], [sflag:$0x2] =	stream.linear.gather [hbm4b:s14+s3], $0x80, $0x38;
	[tilespmem:$0x2080] =	vst v63  }
0x1b: {  	p0 =	sne.s32 s13, $0x1F0;
	_ =	swait.ge [sflag:s7], $0x80  }
0x1c: {  	[sflag:s7] =	ssyncset.done $0x0  }
0x1d: {  	[sflag:s7] =	ssyncadd.s32 $0xFFFFFF80  }
0x1e: {  	[tilespmem:s8], [sflag:$0x1] =	stream.indirect.gather [hbm4b:s1+s8], $0x40, s3, s8, $0xb8;
	[tilespmem:$0x2080] =	vst v63  }
0x1f: {  	_ =	swait.ge [sflag:s9], $0x2000  }
.Ltmp0:
0x20: {  	[sflag:s9] =	ssyncset.done $0x0;
	(pc) =	sbr.rel @p0 .LBB2_2-.Ltmp0, $4  }
0x21: {  	[sflag:s9] =	ssyncadd.s32 $0xFFFFE000  }
0x22: {  	[hbm4b:s11+s3] =	stream.linear.scatter [tilespmem:s8], [sflag:$0x2], $0x2000, $0x38;
	[tilespmem:$0x2080] =	vst v63  }
0x23: {  	_ =	swait.ge [sflag:s7], $0x2000  }
0x24: {  	s13 =	smov.u32 s15;
	s11 =	sadd.s32 $0x400, s11;
	[sflag:s7] =	ssyncset.done $0x0  }
0x25: {  	s12 =	sadd.s32 s12, s6;
	[sflag:s7] =	ssyncadd.s32 $0xFFFFE000  }
0x26: {  	[tilespmem:s3], [sflag:$0x2] =	stream.linear.gather [hbm4b:s12+s3], $0x80, $0x38;
	[tilespmem:$0x2080] =	vst v63  }
0x27: {  	_ =	swait.ge [sflag:s7], $0x80  }
0x28: {  	[sflag:s7] =	ssyncset.done $0x0  }
0x29: {  	[sflag:s7] =	ssyncadd.s32 $0xFFFFFF80  }
0x2a: {  	[tilespmem:s8], [sflag:$0x1] =	stream.indirect.gather [hbm4b:s1+s8], $0x40, s3, s8, $0xb8;
	[tilespmem:$0x2080] =	vst v63  }
0x2b: {  	s10 =	sadd.s32 $0x1, s10;
	_ =	swait.ge [sflag:s9], $0x2000  }
0x2c: {  	p0 =	sne.s32 s10, s4;
	[sflag:s9] =	ssyncset.done $0x0  }
.Ltmp1:
0x2d: {  	[sflag:s9] =	ssyncadd.s32 $0xFFFFE000;
	(pc) =	sbr.rel @p0 .LBB2_1-.Ltmp1, $4  }
0x2e: {  	[hbm4b:s11+s3] =	stream.linear.scatter [tilespmem:s8], [sflag:$0x2], $0x2000, $0x38;
	[tilespmem:$0x2080] =	vst v63  }
0x2f: {  	_ =	swait.ge [sflag:s7], $0x2000  }
0x30: {  	[sflag:s7] =	ssyncset.done $0x0  }
0x31: {  	[sflag:s7] =	ssyncadd.s32 $0xFFFFE000  }
0x32: {  	_ =	sfence.sel $0x180000  }
0x33: {  	[bflag:$0x0] =	sbarrier.arrive $0xFFFF  }
0x34: {  	p0 =	sne.s32 s2, $0x0;
	_ =	strace $0x9000004A  }
0x35: {  	s0 =	sadd.s32 @!p0 $0x100000, s0;
	[bflag:$0x2] =	sbarrier.arrive $0xFFFF  }
0x36: {  	[sflag:s0] =	ssyncadd.tile.s32 @!p0 $0x1;
	_ =	shalt  }
.Lfunc_end2:
_tile_overlayer_lowered:
.L_overlay_start_2:
0x37: {  	(tag) =	ssettag $0x2  }
0x38: {  	s0 =	rddreg [dreg:$0x0];
	s2 =	stileid.u32  }
0x39: {  	s1 =	rddreg [dreg:$0x1];
	p0 =	sne.s32 s2, $0x0  }
0x3a: {  	s3 =	rddreg [dreg:$0x2];
	[bflag:$0x3] =	sbarrier.arrive $0xFFFF;
	s2 =	simm.s32 @!p0 $0x1C02  }
0x3b: {  	[timem:s3], [sflag:s2] =	dma.local @!p0 [hbm:s0], s1  }
0x3c: {  	s0 =	simm.s32 @!p0 $0x2  }
0x3d: {  	_ =	swait.ge @!p0 [sflag:s0], s1  }
0x3e: {  	s1 =	ssub.s32 @!p0 $0x0, s1;
	[sflag:s0] =	ssyncset.done @!p0 $0x0  }
0x3f: {  	[sflag:s0] =	ssyncadd.s32 @!p0 s1  }
0x40: {  	[bflag:$0x3] =	sbarrier.arrive $0xFFFF  }
0x41: {  	_ =	shalt  }

// kernel: kernel.17.cloned.1.call-start
scs
__scs_entry_jumppad:
0x0: {  	(pc) =	sbr.rel $0x88, $3  }
0x1: {  	(tag) =	ssettag $0x0;
	lr =	simm.s32 $0x1  }
0x2: {  	[smem:$0x3F88] =	sst lr;
	_ =	strace $0xD0000000  }
0x3: {  	_ = 	snop  }
0x4: {  	_ = 	snop  }
0x5: {  	_ = 	snop  }
0x6: {  	_ = 	snop  }
0x7: {  	_ = 	snop  }
__scs_overlays_trampoline_lowered:
0x8: {  	[smem:$0x3F97] =	sst s0  }
0x9: {  	[smem:$0x3F98] =	sst s1  }
0xa: {  	[smem:$0x3F99] =	sst s2  }
0xb: {  	[smem:$0x3F9A] =	sst s3  }
0xc: {  	[smem:$0x3F9B] =	sst s4  }
0xd: {  	[smem:$0x3F9C] =	sst s5  }
0xe: {  	[smem:$0x3F9D] =	sst s6  }
0xf: {  	[smem:$0x3F9E] =	sst s7  }
0x10: {  	[smem:$0x3F9F] =	sst s8  }
0x11: {  	[smem:$0x3FA0] =	sst s9;
	s0 =	simm.s32 @!p0 $0x0  }
0x12: {  	s1 =	sld [smem:$0x3F86];
	s0 =	simm.s32 @p0 $0x1  }
0x13: {  	[smem:$0x3FA1] =	sst s0;
	s0 =	simm.s32 @!p1 $0x0  }
0x14: {  	s2 =	sld [smem:$0x3F85];
	s0 =	simm.s32 @p1 $0x1  }
0x15: {  	[smem:$0x3FA2] =	sst s0;
	s0 =	simm.s32 @!p2 $0x0  }
0x16: {  	s3 =	sld [smem:$0x3FDB];
	s0 =	simm.s32 @p2 $0x1  }
0x17: {  	s4 =	simm.s32 $0x1BF5;
	[smem:$0x3FA4] =	sst s0  }
0x18: {  	s0 =	sld [smem:$0x3F87];
	_ =	swait.ge [sflag:s4], $0x0  }
0x19: {  	s7 =	sld [smem:$0x3F88]  }
0x1a: {  	s8 =	sadd.s32 $0xFFFFE003, lr  }
0x1b: {  	s9 =	sadd.s32 $0xFFFFFEF7, lr;
	s5 =	simm.s32 $0xFFFFFFFF;
	p2 =	slt.u32 s8, $0xFFFFF086  }
0x1c: {  	p1 =	slt.u32 s9, $0xF7A;
	s5 =	simm.s32 @!p2 $0x0  }
0x1d: {  	s5 =	simm.s32 @p1 $0x1;
	p0 =	seq.s32 s7, s2  }
0x1e: {  	s7 =	smul.u32 @!p0 $0xF7A, s2;
	p2 =	seq.s32 @!p0 s5, $0x0  }
0x1f: {  	s9 =	smul.u32 $0xF7A, s1;
	s8 =	simm.s32 @!p0 $0x1BF5;
	p2 =	por !p2, p0  }
0x20: {  	[sflag:s8] =	ssyncset.s32 @!p0 $0xFFFFF086;
	s6 =	sadd.s32 @!p0 s3, s7;
	s7 =	simm.s32 @!p0 $0x108  }
0x21: {  	s3 =	sadd.s32 s3, s9;
	s6 =	sadd.s32 @!p0 $0x88, s6;
	s7 =	simm.s32 @p2 $0x1082  }
0x22: {  	[simem:s7], [sflag:s8] =	dma.local @!p0 [hbm:s6], $0xF7A  }
0x23: {  	s9 =	sor.u32 $0xD0000000, s2;
	s6 =	simm.s32 $0x108;
	_ =	swait.ge @!p0 [sflag:s8], $0x0  }
0x24: {  	s3 =	sadd.s32 $0x88, s3;
	s6 =	simm.s32 @!p1 $0x1082;
	[sflag:s4] =	ssyncset.s32 $0xFFFFF086  }
0x25: {  	[simem:s6], [sflag:s4] =	dma.local [hbm:s3], $0xF7A  }
0x26: {  	[smem:$0x3F88] =	sst s1;
	(tag) =	ssettag s2;
	_ =	strace s9  }
0x27: {  	s1 =	sld [smem:$0x3F98]  }
0x28: {  	s2 =	sld [smem:$0x3F99]  }
0x29: {  	s4 =	sld [smem:$0x3F9B]  }
0x2a: {  	p0 =	seq.s32 s5, $0x0;
	s5 =	sld [smem:$0x3F9C]  }
0x2b: {  	s6 =	sld [smem:$0x3F9D]  }
0x2c: {  	s7 =	sld [smem:$0x3F9E]  }
0x2d: {  	s3 =	simm.s32 $0x108;
	s8 =	sld [smem:$0x3F9F]  }
0x2e: {  	s3 =	simm.s32 @!p0 $0x1082;
	s9 =	sld [smem:$0x3FA0]  }
0x2f: {  	lr =	sadd.s32 s0, s3;
	s0 =	sld [smem:$0x3F97]  }
0x30: {  	s3 =	sld [smem:$0x3F9A]  }
0x31: {  	[smem:$0x3FA3] =	sst s10  }
0x32: {  	s10 =	sld [smem:$0x3FA1];
	_ =	sdelay $0x3  }
0x33: {  	p0 =	seq.s32 s10, $0x1;
	s10 =	sld [smem:$0x3FA3];
	_ =	sdelay $0x3  }
0x34: {  	[smem:$0x3FA3] =	sst s10  }
0x35: {  	s10 =	sld [smem:$0x3FA2];
	_ =	sdelay $0x3  }
0x36: {  	p1 =	seq.s32 s10, $0x1;
	s10 =	sld [smem:$0x3FA3];
	_ =	sdelay $0x3  }
0x37: {  	[smem:$0x3FA3] =	sst s10  }
0x38: {  	s10 =	sld [smem:$0x3FA4]  }
0x39: {  	_ = 	snop;
	(pc) =	sbr.ind lr, $3  }
0x3a: {  	_ = 	snop  }
0x3b: {  	_ = 	snop  }
0x3c: {  	p2 =	seq.s32 s10, $0x1;
	s10 =	sld [smem:$0x3FA3]  }
0x3d: {  	_ =	shalt  }
0x3e: {  	_ =	shalt  }
0x3f: {  	_ =	shalt  }
0x40: {  	_ =	shalt  }
0x41: {  	_ =	shalt  }
0x42: {  	_ =	shalt  }
0x43: {  	_ =	shalt  }
0x44: {  	_ =	shalt  }
0x45: {  	_ =	shalt  }
0x46: {  	_ =	shalt  }
0x47: {  	_ =	shalt  }
0x48: {  	_ =	shalt  }
0x49: {  	_ =	shalt  }
0x4a: {  	_ =	shalt  }
0x4b: {  	_ =	shalt  }
0x4c: {  	_ =	shalt  }
0x4d: {  	_ =	shalt  }
0x4e: {  	_ =	shalt  }
0x4f: {  	_ =	shalt  }
0x50: {  	_ =	shalt  }
0x51: {  	_ =	shalt  }
0x52: {  	_ =	shalt  }
0x53: {  	_ =	shalt  }
0x54: {  	_ =	shalt  }
0x55: {  	_ =	shalt  }
0x56: {  	_ =	shalt  }
0x57: {  	_ =	shalt  }
0x58: {  	_ =	shalt  }
0x59: {  	_ =	shalt  }
0x5a: {  	_ =	shalt  }
0x5b: {  	_ =	shalt  }
0x5c: {  	_ =	shalt  }
0x5d: {  	_ =	shalt  }
0x5e: {  	_ =	shalt  }
0x5f: {  	_ =	shalt  }
0x60: {  	_ =	shalt  }
0x61: {  	_ =	shalt  }
0x62: {  	_ =	shalt  }
0x63: {  	_ =	shalt  }
0x64: {  	_ =	shalt  }
0x65: {  	_ =	shalt  }
0x66: {  	_ =	shalt  }
0x67: {  	_ =	shalt  }
0x68: {  	_ =	shalt  }
0x69: {  	_ =	shalt  }
0x6a: {  	_ =	shalt  }
0x6b: {  	_ =	shalt  }
0x6c: {  	_ =	shalt  }
0x6d: {  	_ =	shalt  }
0x6e: {  	_ =	shalt  }
0x6f: {  	_ =	shalt  }
0x70: {  	_ =	shalt  }
0x71: {  	_ =	shalt  }
0x72: {  	_ =	shalt  }
0x73: {  	_ =	shalt  }
0x74: {  	_ =	shalt  }
0x75: {  	_ =	shalt  }
0x76: {  	_ =	shalt  }
0x77: {  	_ =	shalt  }
0x78: {  	_ =	shalt  }
0x79: {  	_ =	shalt  }
0x7a: {  	_ =	shalt  }
0x7b: {  	_ =	shalt  }
0x7c: {  	_ =	shalt  }
0x7d: {  	_ =	shalt  }
0x7e: {  	_ =	shalt  }
0x7f: {  	_ =	shalt  }
0x80: {  	_ =	shalt  }
0x81: {  	_ =	shalt  }
0x82: {  	_ =	shalt  }
0x83: {  	_ =	shalt  }
0x84: {  	_ =	shalt  }
0x85: {  	_ =	shalt  }
0x86: {  	_ =	shalt  }
0x87: {  	_ =	shalt  }
.Lfunc_end0:
.L_simem_size_0:
called_computation.2_lowered:
.L_overlay_start_0:
0x88: {  	s2 =	sld [smem:$0x3FD9]  }
0x89: {  	s3 =	sld [smem:$0x3FFE];
	_ =	sdelay $0x1  }
0x8a: {  	s1 =	srdreg.scid  }
0x8b: {  	s0 =	sand.u32 $0x1, s1  }
0x8c: {  	s17 =	sshll.u32 s0, $0xA;
	s2 =	sadd.s32 s3, s2  }
0x8d: {  	s2 =	sadd.s32 s2, s17  }
0x8e: {  	[smem:$0x3FAF] =	sst s2  }
0x8f: {  	_ = 	snop  }
0x90: {  	s2 =	sld [smem:$0x3FD0];
	(tm) =	ssettm $0x1  }
0x91: {  	s18 =	sld [smem:$0x3FFB];
	_ =	sdelay $0x3  }
0x92: {  	_ =	strace s18  }
0x93: {  	s3 =	sld [smem:$0x3FFC];
	_ =	sdelay $0x3  }
0x94: {  	_ =	strace s3  }
0x95: {  	s3 =	sld [smem:$0x3FFD];
	_ =	sdelay $0x3  }
0x96: {  	_ =	strace s3  }
0x97: {  	_ =	strace $0x8FFFFFFF  }
0x98: {  	s19 =	sld [smem:$0x3FDB];
	_ =	sdelay $0x1  }
0x99: {  	s4 =	simm.s32 $_scs_section_size  }
0x9a: {  	s5 =	simm.s32 $_size__tile_overlayer_lowered;
	s6 =	simm.s32 $_tile_overlayer_lowered  }
0x9b: {  	s22 =	simm.s32 $0x1BFF;
	s21 =	sshll.u32 s6, $0x1;
	s3 =	sadd.s32 s4, s19  }
0x9c: {  	s7 =	simm.s32 $0x0;
	s20 =	sshll.u32 s5, $0x1;
	s5 =	sadd.s32 s21, s3  }
0x9d: {  	[timem:s7], [sflag:s22] =	dma.local [hbm:s5], s20  }
0x9e: {  	_ =	swait.ge [sflag:s22], s20  }
0x9f: {  	s4 =	ssub.s32 $0x0, s20;
	[sflag:s22] =	ssyncset.done $0x0  }
0xa0: {  	[sflag:s22] =	ssyncadd.s32 s4;
	_ =	sdelay $0x1  }
0xa1: {  	s23 =	simm.s32 $0x1B8B  }
0xa2: {  	_ =	swait.ge [sflag:s23], $0x1  }
0xa3: {  	[sflag:s23] =	ssyncset.done $0x0  }
0xa4: {  	s25 =	simm.s32 $0x1B8E;
	s24 =	sld [smem:$0x3FFE];
	[sflag:s23] =	ssyncadd.s32 $0xFFFFFFFF  }
0xa5: {  	s26 =	simm.s32 $execute0_lowered;
	[smem:$0x3FD2] =	sst s25  }
0xa6: {  	s5 =	sshll.u32 s26, $0x1;
	_ =	strace $0x8000004C;
	[dreg:$0x1] =	wrdreg $0xFFFFFFFF  }
0xa7: {  	s28 =	simm.s32 $_size_execute0_lowered;
	s3 =	sadd.s32 s3, s5;
	[dreg:$0x0] =	wrdreg $0x0  }
0xa8: {  	s5 =	sshll.u32 s28, $0x1;
	[dreg:$0x2] =	wrdreg s3  }
0xa9: {  	[dreg:$0x3] =	wrdreg s5  }
0xaa: {  	[dreg:$0x4] =	wrdreg $0xC0  }
0xab: {  	_ =	task [dreg:s7], $0x5FFFF  }
0xac: {  	[dreg:$0x1] =	wrdreg $0xFFFFFFFF  }
0xad: {  	[dreg:$0x0] =	wrdreg $0x60  }
0xae: {  	[dreg:$0x2] =	wrdreg s2  }
0xaf: {  	[dreg:$0x3] =	wrdreg s24  }
0xb0: {  	[dreg:$0x4] =	wrdreg $0x9  }
0xb1: {  	_ =	task.clear_ibuf [dreg:s7], $0x5FFFF;
	_ =	strace $0x9000004C  }
0xb2: {  	s29 =	simm.s32 $0x9;
	_ =	strace $0x8000004E  }
0xb3: {  	_ =	swait.ge [sflag:s29], $0x1  }
0xb4: {  	[sflag:s29] =	ssyncadd.s32 $0xFFFFFFFF  }
0xb5: {  	_ =	strace $0x9000004E  }
0xb6: {  	_ =	sfence  }
0xb7: {  	s30 =	sld [smem:$0x0];
	_ =	sdelay $0x2  }
0xb8: {  	s31 =	sshll.u32 s1, $0xD;
	s1 =	sshrl.u32 s1, $0x2  }
0xb9: {  	s3 =	sand.u32 $0x4000, s31;
	s1 =	sadd.s32 s1, s30  }
0xba: {  	s0 =	sor.u32 s3, s0;
	s1 =	sshll.u32 s1, $0x11  }
0xbb: {  	s0 =	sor.u32 s1, s0  }
0xbc: {  	s0 =	sadd.s32 $0x8F2B, s0  }
0xbd: {  	[sflag:s0] =	ssyncadd.remote.s32 $0x1  }
0xbe: {  	_ =	sfence.sel $0xFFFF  }
0xbf: {  	[dreg:$0x0] =	wrdreg $0xFFFFFFFF;
	(pc) =	sbr.abs _section_cstart, $3  }
0xc0: {  	[dreg:$0x1] =	wrdreg $0xFFFFFFFF  }
0xc1: {  	_ =	task.clear_ibuf [dreg:s7], $0x2FFFF;
	_ =	strace $0x9FFFFFFF  }
0xc2: {  	(tm) =	ssettm $0x7FFFFFFF  }
0xc3: {  	_ =	shalt  }
tec
execute0_lowered:
.L_overlay_start_1:
0x0: {  	(tag) =	ssettag $0x1  }
0x1: {  	s1 =	rddreg [dreg:$0x0]  }
0x2: {  	s4 =	rddreg [dreg:$0x1]  }
0x3: {  	s0 =	rddreg [dreg:$0x2];
	s5 =	srdreg.scid  }
0x4: {  	s3 =	simm.s32 $0x0;
	s2 =	stileid.u32;
	s10 =	simm.s32 $0x0  }
0x5: {  	s5 =	sand.u32 $0x1, s5;
	[smem:$0x7FF] =	sst s3;
	s6 =	sshll.u32 s2, $0xD  }
0x6: {  	s8 =	sshll.u32 s2, $0x10;
	s7 =	sshll.u32 s5, $0xC;
	_ =	strace $0x8000004D  }
0x7: {  	s31 =	ssub.s32 $0x2, s5;
	s8 =	sadd.s32 s8, s4;
	s5 =	sshll.u32 s5, $0xF  }
0x8: {  	s6 =	sor.u32 s7, s6;
	s9 =	sshrl.u32 s31, $0x1;
	s5 =	sadd.s32 s5, s8  }
0x9: {  	s8 =	simm.s32 $0x80;
	s6 =	sshrl.u32 s6, $0x3;
	s7 =	ssub.s32 s31, s9  }
0xa: {  	s5 =	sadd.s32 $0x48A00, s5;
	s9 =	simm.s32 $0x1;
	s6 =	sadd.s32 s6, s4  }
0xb: {  	s4 =	smax.u32 s7, $0x1;
	s7 =	simm.s32 $0x2;
	s6 =	sadd.s32 $0x4A00, s6  }
.LBB2_1:
0xc: {  	s11 =	sadd.s32 $0x0, s6  }
0xd: {  	[tilespmem:s3], [sflag:$0x2] =	stream.linear.gather [hbm4b:s11+s3], $0x80, $0x38;
	[tilespmem:$0x2080] =	vst v63  }
0xe: {  	_ =	swait.ge [sflag:s7], $0x80  }
0xf: {  	[sflag:s7] =	ssyncset.done $0x0  }
0x10: {  	[sflag:s7] =	ssyncadd.s32 $0xFFFFFF80  }
0x11: {  	[tilespmem:s8], [sflag:$0x1] =	stream.indirect.gather [hbm4b:s1+s8], $0x40, s3, s8, $0xb8;
	[tilespmem:$0x2080] =	vst v63  }
0x12: {  	_ =	swait.ge [sflag:s9], $0x2000  }
0x13: {  	[sflag:s9] =	ssyncset.done $0x0  }
0x14: {  	[sflag:s9] =	ssyncadd.s32 $0xFFFFE000  }
0x15: {  	[hbm4b:s5+s3] =	stream.linear.scatter [tilespmem:s8], [sflag:$0x2], $0x2000, $0x38;
	[tilespmem:$0x2080] =	vst v63  }
0x16: {  	s12 =	simm.s32 $0x10;
	_ =	swait.ge [sflag:s7], $0x2000  }
0x17: {  	s13 =	simm.s32 $0x20;
	s11 =	sadd.s32 $0x400, s5;
	[sflag:s7] =	ssyncset.done $0x0  }
.LBB2_2:
0x18: {  	s14 =	sadd.s32 s12, s6  }
0x19: {  	[sflag:s7] =	ssyncadd.s32 $0xFFFFE000;
	s12 =	smov.u32 s13;
	s15 =	sadd.s32 $0x10, s13  }
0x1a: {  	[tilespmem:s3], [sflag:$0x2] =	stream.linear.gather [hbm4b:s14+s3], $0x80, $0x38;
	[tilespmem:$0x2080] =	vst v63  }
0x1b: {  	p0 =	sne.s32 s13, $0x1F0;
	_ =	swait.ge [sflag:s7], $0x80  }
0x1c: {  	[sflag:s7] =	ssyncset.done $0x0  }
0x1d: {  	[sflag:s7] =	ssyncadd.s32 $0xFFFFFF80  }
0x1e: {  	[tilespmem:s8], [sflag:$0x1] =	stream.indirect.gather [hbm4b:s1+s8], $0x40, s3, s8, $0xb8;
	[tilespmem:$0x2080] =	vst v63  }
0x1f: {  	_ =	swait.ge [sflag:s9], $0x2000  }
.Ltmp0:
0x20: {  	[sflag:s9] =	ssyncset.done $0x0;
	(pc) =	sbr.rel @p0 .LBB2_2-.Ltmp0, $4  }
0x21: {  	[sflag:s9] =	ssyncadd.s32 $0xFFFFE000  }
0x22: {  	[hbm4b:s11+s3] =	stream.linear.scatter [tilespmem:s8], [sflag:$0x2], $0x2000, $0x38;
	[tilespmem:$0x2080] =	vst v63  }
0x23: {  	_ =	swait.ge [sflag:s7], $0x2000  }
0x24: {  	s13 =	smov.u32 s15;
	s11 =	sadd.s32 $0x400, s11;
	[sflag:s7] =	ssyncset.done $0x0  }
0x25: {  	s12 =	sadd.s32 s12, s6;
	[sflag:s7] =	ssyncadd.s32 $0xFFFFE000  }
0x26: {  	[tilespmem:s3], [sflag:$0x2] =	stream.linear.gather [hbm4b:s12+s3], $0x80, $0x38;
	[tilespmem:$0x2080] =	vst v63  }
0x27: {  	_ =	swait.ge [sflag:s7], $0x80  }
0x28: {  	[sflag:s7] =	ssyncset.done $0x0  }
0x29: {  	[sflag:s7] =	ssyncadd.s32 $0xFFFFFF80  }
0x2a: {  	[tilespmem:s8], [sflag:$0x1] =	stream.indirect.gather [hbm4b:s1+s8], $0x40, s3, s8, $0xb8;
	[tilespmem:$0x2080] =	vst v63  }
0x2b: {  	s10 =	sadd.s32 $0x1, s10;
	_ =	swait.ge [sflag:s9], $0x2000  }
0x2c: {  	p0 =	sne.s32 s10, s4;
	[sflag:s9] =	ssyncset.done $0x0  }
.Ltmp1:
0x2d: {  	[sflag:s9] =	ssyncadd.s32 $0xFFFFE000;
	(pc) =	sbr.rel @p0 .LBB2_1-.Ltmp1, $4  }
0x2e: {  	[hbm4b:s11+s3] =	stream.linear.scatter [tilespmem:s8], [sflag:$0x2], $0x2000, $0x38;
	[tilespmem:$0x2080] =	vst v63  }
0x2f: {  	_ =	swait.ge [sflag:s7], $0x2000  }
0x30: {  	[sflag:s7] =	ssyncset.done $0x0  }
0x31: {  	[sflag:s7] =	ssyncadd.s32 $0xFFFFE000  }
0x32: {  	_ =	sfence.sel $0x180000  }
0x33: {  	[bflag:$0x0] =	sbarrier.arrive $0xFFFF  }
0x34: {  	p0 =	sne.s32 s2, $0x0;
	_ =	strace $0x9000004D  }
0x35: {  	s0 =	sadd.s32 @!p0 $0x100000, s0;
	[bflag:$0x2] =	sbarrier.arrive $0xFFFF  }
0x36: {  	[sflag:s0] =	ssyncadd.tile.s32 @!p0 $0x1;
	_ =	shalt  }
.Lfunc_end2:
_tile_overlayer_lowered:
.L_overlay_start_2:
0x37: {  	(tag) =	ssettag $0x2  }
0x38: {  	s0 =	rddreg [dreg:$0x0];
	s2 =	stileid.u32  }
0x39: {  	s1 =	rddreg [dreg:$0x1];
	p0 =	sne.s32 s2, $0x0  }
0x3a: {  	s3 =	rddreg [dreg:$0x2];
	[bflag:$0x3] =	sbarrier.arrive $0xFFFF;
	s2 =	simm.s32 @!p0 $0x1C02  }
0x3b: {  	[timem:s3], [sflag:s2] =	dma.local @!p0 [hbm:s0], s1  }
0x3c: {  	s0 =	simm.s32 @!p0 $0x2  }
0x3d: {  	_ =	swait.ge @!p0 [sflag:s0], s1  }
0x3e: {  	s1 =	ssub.s32 @!p0 $0x0, s1;
	[sflag:s0] =	ssyncset.done @!p0 $0x0  }
0x3f: {  	[sflag:s0] =	ssyncadd.s32 @!p0 s1  }
0x40: {  	[bflag:$0x3] =	sbarrier.arrive $0xFFFF  }
0x41: {  	_ =	shalt  }

// kernel: kernel.20.cloned.1.call-start
scs
__scs_entry_jumppad:
0x0: {  	(pc) =	sbr.rel $0x88, $3  }
0x1: {  	(tag) =	ssettag $0x0;
	lr =	simm.s32 $0x1  }
0x2: {  	[smem:$0x3F88] =	sst lr;
	_ =	strace $0xD0000000  }
0x3: {  	_ = 	snop  }
0x4: {  	_ = 	snop  }
0x5: {  	_ = 	snop  }
0x6: {  	_ = 	snop  }
0x7: {  	_ = 	snop  }
__scs_overlays_trampoline_lowered:
0x8: {  	[smem:$0x3F97] =	sst s0  }
0x9: {  	[smem:$0x3F98] =	sst s1  }
0xa: {  	[smem:$0x3F99] =	sst s2  }
0xb: {  	[smem:$0x3F9A] =	sst s3  }
0xc: {  	[smem:$0x3F9B] =	sst s4  }
0xd: {  	[smem:$0x3F9C] =	sst s5  }
0xe: {  	[smem:$0x3F9D] =	sst s6  }
0xf: {  	[smem:$0x3F9E] =	sst s7  }
0x10: {  	[smem:$0x3F9F] =	sst s8  }
0x11: {  	[smem:$0x3FA0] =	sst s9;
	s0 =	simm.s32 @!p0 $0x0  }
0x12: {  	s1 =	sld [smem:$0x3F86];
	s0 =	simm.s32 @p0 $0x1  }
0x13: {  	[smem:$0x3FA1] =	sst s0;
	s0 =	simm.s32 @!p1 $0x0  }
0x14: {  	s2 =	sld [smem:$0x3F85];
	s0 =	simm.s32 @p1 $0x1  }
0x15: {  	[smem:$0x3FA2] =	sst s0;
	s0 =	simm.s32 @!p2 $0x0  }
0x16: {  	s3 =	sld [smem:$0x3FDB];
	s0 =	simm.s32 @p2 $0x1  }
0x17: {  	s4 =	simm.s32 $0x1BF5;
	[smem:$0x3FA4] =	sst s0  }
0x18: {  	s0 =	sld [smem:$0x3F87];
	_ =	swait.ge [sflag:s4], $0x0  }
0x19: {  	s7 =	sld [smem:$0x3F88]  }
0x1a: {  	s8 =	sadd.s32 $0xFFFFE003, lr  }
0x1b: {  	s9 =	sadd.s32 $0xFFFFFEF7, lr;
	s5 =	simm.s32 $0xFFFFFFFF;
	p2 =	slt.u32 s8, $0xFFFFF086  }
0x1c: {  	p1 =	slt.u32 s9, $0xF7A;
	s5 =	simm.s32 @!p2 $0x0  }
0x1d: {  	s5 =	simm.s32 @p1 $0x1;
	p0 =	seq.s32 s7, s2  }
0x1e: {  	s7 =	smul.u32 @!p0 $0xF7A, s2;
	p2 =	seq.s32 @!p0 s5, $0x0  }
0x1f: {  	s9 =	smul.u32 $0xF7A, s1;
	s8 =	simm.s32 @!p0 $0x1BF5;
	p2 =	por !p2, p0  }
0x20: {  	[sflag:s8] =	ssyncset.s32 @!p0 $0xFFFFF086;
	s6 =	sadd.s32 @!p0 s3, s7;
	s7 =	simm.s32 @!p0 $0x108  }
0x21: {  	s3 =	sadd.s32 s3, s9;
	s6 =	sadd.s32 @!p0 $0x88, s6;
	s7 =	simm.s32 @p2 $0x1082  }
0x22: {  	[simem:s7], [sflag:s8] =	dma.local @!p0 [hbm:s6], $0xF7A  }
0x23: {  	s9 =	sor.u32 $0xD0000000, s2;
	s6 =	simm.s32 $0x108;
	_ =	swait.ge @!p0 [sflag:s8], $0x0  }
0x24: {  	s3 =	sadd.s32 $0x88, s3;
	s6 =	simm.s32 @!p1 $0x1082;
	[sflag:s4] =	ssyncset.s32 $0xFFFFF086  }
0x25: {  	[simem:s6], [sflag:s4] =	dma.local [hbm:s3], $0xF7A  }
0x26: {  	[smem:$0x3F88] =	sst s1;
	(tag) =	ssettag s2;
	_ =	strace s9  }
0x27: {  	s1 =	sld [smem:$0x3F98]  }
0x28: {  	s2 =	sld [smem:$0x3F99]  }
0x29: {  	s4 =	sld [smem:$0x3F9B]  }
0x2a: {  	p0 =	seq.s32 s5, $0x0;
	s5 =	sld [smem:$0x3F9C]  }
0x2b: {  	s6 =	sld [smem:$0x3F9D]  }
0x2c: {  	s7 =	sld [smem:$0x3F9E]  }
0x2d: {  	s3 =	simm.s32 $0x108;
	s8 =	sld [smem:$0x3F9F]  }
0x2e: {  	s3 =	simm.s32 @!p0 $0x1082;
	s9 =	sld [smem:$0x3FA0]  }
0x2f: {  	lr =	sadd.s32 s0, s3;
	s0 =	sld [smem:$0x3F97]  }
0x30: {  	s3 =	sld [smem:$0x3F9A]  }
0x31: {  	[smem:$0x3FA3] =	sst s10  }
0x32: {  	s10 =	sld [smem:$0x3FA1];
	_ =	sdelay $0x3  }
0x33: {  	p0 =	seq.s32 s10, $0x1;
	s10 =	sld [smem:$0x3FA3];
	_ =	sdelay $0x3  }
0x34: {  	[smem:$0x3FA3] =	sst s10  }
0x35: {  	s10 =	sld [smem:$0x3FA2];
	_ =	sdelay $0x3  }
0x36: {  	p1 =	seq.s32 s10, $0x1;
	s10 =	sld [smem:$0x3FA3];
	_ =	sdelay $0x3  }
0x37: {  	[smem:$0x3FA3] =	sst s10  }
0x38: {  	s10 =	sld [smem:$0x3FA4]  }
0x39: {  	_ = 	snop;
	(pc) =	sbr.ind lr, $3  }
0x3a: {  	_ = 	snop  }
0x3b: {  	_ = 	snop  }
0x3c: {  	p2 =	seq.s32 s10, $0x1;
	s10 =	sld [smem:$0x3FA3]  }
0x3d: {  	_ =	shalt  }
0x3e: {  	_ =	shalt  }
0x3f: {  	_ =	shalt  }
0x40: {  	_ =	shalt  }
0x41: {  	_ =	shalt  }
0x42: {  	_ =	shalt  }
0x43: {  	_ =	shalt  }
0x44: {  	_ =	shalt  }
0x45: {  	_ =	shalt  }
0x46: {  	_ =	shalt  }
0x47: {  	_ =	shalt  }
0x48: {  	_ =	shalt  }
0x49: {  	_ =	shalt  }
0x4a: {  	_ =	shalt  }
0x4b: {  	_ =	shalt  }
0x4c: {  	_ =	shalt  }
0x4d: {  	_ =	shalt  }
0x4e: {  	_ =	shalt  }
0x4f: {  	_ =	shalt  }
0x50: {  	_ =	shalt  }
0x51: {  	_ =	shalt  }
0x52: {  	_ =	shalt  }
0x53: {  	_ =	shalt  }
0x54: {  	_ =	shalt  }
0x55: {  	_ =	shalt  }
0x56: {  	_ =	shalt  }
0x57: {  	_ =	shalt  }
0x58: {  	_ =	shalt  }
0x59: {  	_ =	shalt  }
0x5a: {  	_ =	shalt  }
0x5b: {  	_ =	shalt  }
0x5c: {  	_ =	shalt  }
0x5d: {  	_ =	shalt  }
0x5e: {  	_ =	shalt  }
0x5f: {  	_ =	shalt  }
0x60: {  	_ =	shalt  }
0x61: {  	_ =	shalt  }
0x62: {  	_ =	shalt  }
0x63: {  	_ =	shalt  }
0x64: {  	_ =	shalt  }
0x65: {  	_ =	shalt  }
0x66: {  	_ =	shalt  }
0x67: {  	_ =	shalt  }
0x68: {  	_ =	shalt  }
0x69: {  	_ =	shalt  }
0x6a: {  	_ =	shalt  }
0x6b: {  	_ =	shalt  }
0x6c: {  	_ =	shalt  }
0x6d: {  	_ =	shalt  }
0x6e: {  	_ =	shalt  }
0x6f: {  	_ =	shalt  }
0x70: {  	_ =	shalt  }
0x71: {  	_ =	shalt  }
0x72: {  	_ =	shalt  }
0x73: {  	_ =	shalt  }
0x74: {  	_ =	shalt  }
0x75: {  	_ =	shalt  }
0x76: {  	_ =	shalt  }
0x77: {  	_ =	shalt  }
0x78: {  	_ =	shalt  }
0x79: {  	_ =	shalt  }
0x7a: {  	_ =	shalt  }
0x7b: {  	_ =	shalt  }
0x7c: {  	_ =	shalt  }
0x7d: {  	_ =	shalt  }
0x7e: {  	_ =	shalt  }
0x7f: {  	_ =	shalt  }
0x80: {  	_ =	shalt  }
0x81: {  	_ =	shalt  }
0x82: {  	_ =	shalt  }
0x83: {  	_ =	shalt  }
0x84: {  	_ =	shalt  }
0x85: {  	_ =	shalt  }
0x86: {  	_ =	shalt  }
0x87: {  	_ =	shalt  }
.Lfunc_end0:
.L_simem_size_0:
called_computation.3_lowered:
.L_overlay_start_0:
0x88: {  	s2 =	sld [smem:$0x3FD9]  }
0x89: {  	s3 =	sld [smem:$0x3FFE];
	_ =	sdelay $0x1  }
0x8a: {  	s1 =	srdreg.scid  }
0x8b: {  	s0 =	sand.u32 $0x1, s1  }
0x8c: {  	s17 =	sshll.u32 s0, $0xA;
	s2 =	sadd.s32 s3, s2  }
0x8d: {  	s2 =	sadd.s32 s2, s17  }
0x8e: {  	[smem:$0x3FAF] =	sst s2  }
0x8f: {  	_ = 	snop  }
0x90: {  	s2 =	sld [smem:$0x3FD0];
	(tm) =	ssettm $0x1  }
0x91: {  	s18 =	sld [smem:$0x3FFB];
	_ =	sdelay $0x3  }
0x92: {  	_ =	strace s18  }
0x93: {  	s3 =	sld [smem:$0x3FFC];
	_ =	sdelay $0x3  }
0x94: {  	_ =	strace s3  }
0x95: {  	s3 =	sld [smem:$0x3FFD];
	_ =	sdelay $0x3  }
0x96: {  	_ =	strace s3  }
0x97: {  	_ =	strace $0x8FFFFFFF  }
0x98: {  	s19 =	sld [smem:$0x3FDB];
	_ =	sdelay $0x1  }
0x99: {  	s4 =	simm.s32 $_scs_section_size  }
0x9a: {  	s5 =	simm.s32 $_size__tile_overlayer_lowered;
	s6 =	simm.s32 $_tile_overlayer_lowered  }
0x9b: {  	s22 =	simm.s32 $0x1BFF;
	s21 =	sshll.u32 s6, $0x1;
	s3 =	sadd.s32 s4, s19  }
0x9c: {  	s7 =	simm.s32 $0x0;
	s20 =	sshll.u32 s5, $0x1;
	s5 =	sadd.s32 s21, s3  }
0x9d: {  	[timem:s7], [sflag:s22] =	dma.local [hbm:s5], s20  }
0x9e: {  	_ =	swait.ge [sflag:s22], s20  }
0x9f: {  	s4 =	ssub.s32 $0x0, s20;
	[sflag:s22] =	ssyncset.done $0x0  }
0xa0: {  	[sflag:s22] =	ssyncadd.s32 s4;
	_ =	sdelay $0x1  }
0xa1: {  	s23 =	simm.s32 $0x1B8B  }
0xa2: {  	_ =	swait.ge [sflag:s23], $0x1  }
0xa3: {  	[sflag:s23] =	ssyncset.done $0x0  }
0xa4: {  	s25 =	simm.s32 $0x1B8E;
	s24 =	sld [smem:$0x3FFE];
	[sflag:s23] =	ssyncadd.s32 $0xFFFFFFFF  }
0xa5: {  	s26 =	simm.s32 $execute0_lowered;
	[smem:$0x3FD2] =	sst s25  }
0xa6: {  	s5 =	sshll.u32 s26, $0x1;
	_ =	strace $0x8000004F;
	[dreg:$0x1] =	wrdreg $0xFFFFFFFF  }
0xa7: {  	s28 =	simm.s32 $_size_execute0_lowered;
	s3 =	sadd.s32 s3, s5;
	[dreg:$0x0] =	wrdreg $0x0  }
0xa8: {  	s5 =	sshll.u32 s28, $0x1;
	[dreg:$0x2] =	wrdreg s3  }
0xa9: {  	[dreg:$0x3] =	wrdreg s5  }
0xaa: {  	[dreg:$0x4] =	wrdreg $0xC0  }
0xab: {  	_ =	task [dreg:s7], $0x5FFFF  }
0xac: {  	[dreg:$0x1] =	wrdreg $0xFFFFFFFF  }
0xad: {  	[dreg:$0x0] =	wrdreg $0x60  }
0xae: {  	[dreg:$0x2] =	wrdreg s2  }
0xaf: {  	[dreg:$0x3] =	wrdreg s24  }
0xb0: {  	[dreg:$0x4] =	wrdreg $0x9  }
0xb1: {  	_ =	task.clear_ibuf [dreg:s7], $0x5FFFF;
	_ =	strace $0x9000004F  }
0xb2: {  	s29 =	simm.s32 $0x9;
	_ =	strace $0x80000051  }
0xb3: {  	_ =	swait.ge [sflag:s29], $0x1  }
0xb4: {  	[sflag:s29] =	ssyncadd.s32 $0xFFFFFFFF  }
0xb5: {  	_ =	strace $0x90000051  }
0xb6: {  	_ =	sfence  }
0xb7: {  	s30 =	sld [smem:$0x0];
	_ =	sdelay $0x2  }
0xb8: {  	s31 =	sshll.u32 s1, $0xD;
	s1 =	sshrl.u32 s1, $0x2  }
0xb9: {  	s3 =	sand.u32 $0x4000, s31;
	s1 =	sadd.s32 s1, s30  }
0xba: {  	s0 =	sor.u32 s3, s0;
	s1 =	sshll.u32 s1, $0x11  }
0xbb: {  	s0 =	sor.u32 s1, s0  }
0xbc: {  	s0 =	sadd.s32 $0x8F2B, s0  }
0xbd: {  	[sflag:s0] =	ssyncadd.remote.s32 $0x1  }
0xbe: {  	_ =	sfence.sel $0xFFFF  }
0xbf: {  	[dreg:$0x0] =	wrdreg $0xFFFFFFFF;
	(pc) =	sbr.abs _section_cstart, $3  }
0xc0: {  	[dreg:$0x1] =	wrdreg $0xFFFFFFFF  }
0xc1: {  	_ =	task.clear_ibuf [dreg:s7], $0x2FFFF;
	_ =	strace $0x9FFFFFFF  }
0xc2: {  	(tm) =	ssettm $0x7FFFFFFF  }
0xc3: {  	_ =	shalt  }
tec
execute0_lowered:
.L_overlay_start_1:
0x0: {  	(tag) =	ssettag $0x1  }
0x1: {  	s1 =	rddreg [dreg:$0x0]  }
0x2: {  	s4 =	rddreg [dreg:$0x1]  }
0x3: {  	s0 =	rddreg [dreg:$0x2];
	s5 =	srdreg.scid  }
0x4: {  	s3 =	simm.s32 $0x0;
	s2 =	stileid.u32;
	s10 =	simm.s32 $0x0  }
0x5: {  	s5 =	sand.u32 $0x1, s5;
	[smem:$0x7FF] =	sst s3;
	s6 =	sshll.u32 s2, $0xD  }
0x6: {  	s8 =	sshll.u32 s2, $0x10;
	s7 =	sshll.u32 s5, $0xC;
	_ =	strace $0x80000050  }
0x7: {  	s31 =	ssub.s32 $0x2, s5;
	s8 =	sadd.s32 s8, s4;
	s5 =	sshll.u32 s5, $0xF  }
0x8: {  	s6 =	sor.u32 s7, s6;
	s9 =	sshrl.u32 s31, $0x1;
	s5 =	sadd.s32 s5, s8  }
0x9: {  	s8 =	simm.s32 $0x80;
	s6 =	sshrl.u32 s6, $0x3;
	s7 =	ssub.s32 s31, s9  }
0xa: {  	s5 =	sadd.s32 $0x8A00, s5;
	s9 =	simm.s32 $0x1;
	s6 =	sadd.s32 s6, s4  }
0xb: {  	s4 =	smax.u32 s7, $0x1;
	s7 =	simm.s32 $0x2;
	s6 =	sadd.s32 $0x4A00, s6  }
.LBB2_1:
0xc: {  	s11 =	sadd.s32 $0x0, s6  }
0xd: {  	[tilespmem:s3], [sflag:$0x2] =	stream.linear.gather [hbm4b:s11+s3], $0x80, $0x38;
	[tilespmem:$0x2080] =	vst v63  }
0xe: {  	_ =	swait.ge [sflag:s7], $0x80  }
0xf: {  	[sflag:s7] =	ssyncset.done $0x0  }
0x10: {  	[sflag:s7] =	ssyncadd.s32 $0xFFFFFF80  }
0x11: {  	[tilespmem:s8], [sflag:$0x1] =	stream.indirect.gather [hbm4b:s1+s8], $0x40, s3, s8, $0xb8;
	[tilespmem:$0x2080] =	vst v63  }
0x12: {  	_ =	swait.ge [sflag:s9], $0x2000  }
0x13: {  	[sflag:s9] =	ssyncset.done $0x0  }
0x14: {  	[sflag:s9] =	ssyncadd.s32 $0xFFFFE000  }
0x15: {  	[hbm4b:s5+s3] =	stream.linear.scatter [tilespmem:s8], [sflag:$0x2], $0x2000, $0x38;
	[tilespmem:$0x2080] =	vst v63  }
0x16: {  	s12 =	simm.s32 $0x10;
	_ =	swait.ge [sflag:s7], $0x2000  }
0x17: {  	s13 =	simm.s32 $0x20;
	s11 =	sadd.s32 $0x400, s5;
	[sflag:s7] =	ssyncset.done $0x0  }
.LBB2_2:
0x18: {  	s14 =	sadd.s32 s12, s6  }
0x19: {  	[sflag:s7] =	ssyncadd.s32 $0xFFFFE000;
	s12 =	smov.u32 s13;
	s15 =	sadd.s32 $0x10, s13  }
0x1a: {  	[tilespmem:s3], [sflag:$0x2] =	stream.linear.gather [hbm4b:s14+s3], $0x80, $0x38;
	[tilespmem:$0x2080] =	vst v63  }
0x1b: {  	p0 =	sne.s32 s13, $0x1F0;
	_ =	swait.ge [sflag:s7], $0x80  }
0x1c: {  	[sflag:s7] =	ssyncset.done $0x0  }
0x1d: {  	[sflag:s7] =	ssyncadd.s32 $0xFFFFFF80  }
0x1e: {  	[tilespmem:s8], [sflag:$0x1] =	stream.indirect.gather [hbm4b:s1+s8], $0x40, s3, s8, $0xb8;
	[tilespmem:$0x2080] =	vst v63  }
0x1f: {  	_ =	swait.ge [sflag:s9], $0x2000  }
.Ltmp0:
0x20: {  	[sflag:s9] =	ssyncset.done $0x0;
	(pc) =	sbr.rel @p0 .LBB2_2-.Ltmp0, $4  }
0x21: {  	[sflag:s9] =	ssyncadd.s32 $0xFFFFE000  }
0x22: {  	[hbm4b:s11+s3] =	stream.linear.scatter [tilespmem:s8], [sflag:$0x2], $0x2000, $0x38;
	[tilespmem:$0x2080] =	vst v63  }
0x23: {  	_ =	swait.ge [sflag:s7], $0x2000  }
0x24: {  	s13 =	smov.u32 s15;
	s11 =	sadd.s32 $0x400, s11;
	[sflag:s7] =	ssyncset.done $0x0  }
0x25: {  	s12 =	sadd.s32 s12, s6;
	[sflag:s7] =	ssyncadd.s32 $0xFFFFE000  }
0x26: {  	[tilespmem:s3], [sflag:$0x2] =	stream.linear.gather [hbm4b:s12+s3], $0x80, $0x38;
	[tilespmem:$0x2080] =	vst v63  }
0x27: {  	_ =	swait.ge [sflag:s7], $0x80  }
0x28: {  	[sflag:s7] =	ssyncset.done $0x0  }
0x29: {  	[sflag:s7] =	ssyncadd.s32 $0xFFFFFF80  }
0x2a: {  	[tilespmem:s8], [sflag:$0x1] =	stream.indirect.gather [hbm4b:s1+s8], $0x40, s3, s8, $0xb8;
	[tilespmem:$0x2080] =	vst v63  }
0x2b: {  	s10 =	sadd.s32 $0x1, s10;
	_ =	swait.ge [sflag:s9], $0x2000  }
0x2c: {  	p0 =	sne.s32 s10, s4;
	[sflag:s9] =	ssyncset.done $0x0  }
.Ltmp1:
0x2d: {  	[sflag:s9] =	ssyncadd.s32 $0xFFFFE000;
	(pc) =	sbr.rel @p0 .LBB2_1-.Ltmp1, $4  }
0x2e: {  	[hbm4b:s11+s3] =	stream.linear.scatter [tilespmem:s8], [sflag:$0x2], $0x2000, $0x38;
	[tilespmem:$0x2080] =	vst v63  }
0x2f: {  	_ =	swait.ge [sflag:s7], $0x2000  }
0x30: {  	[sflag:s7] =	ssyncset.done $0x0  }
0x31: {  	[sflag:s7] =	ssyncadd.s32 $0xFFFFE000  }
0x32: {  	_ =	sfence.sel $0x180000  }
0x33: {  	[bflag:$0x0] =	sbarrier.arrive $0xFFFF  }
0x34: {  	p0 =	sne.s32 s2, $0x0;
	_ =	strace $0x90000050  }
0x35: {  	s0 =	sadd.s32 @!p0 $0x100000, s0;
	[bflag:$0x2] =	sbarrier.arrive $0xFFFF  }
0x36: {  	[sflag:s0] =	ssyncadd.tile.s32 @!p0 $0x1;
	_ =	shalt  }
.Lfunc_end2:
_tile_overlayer_lowered:
.L_overlay_start_2:
0x37: {  	(tag) =	ssettag $0x2  }
0x38: {  	s0 =	rddreg [dreg:$0x0];
	s2 =	stileid.u32  }
0x39: {  	s1 =	rddreg [dreg:$0x1];
	p0 =	sne.s32 s2, $0x0  }
0x3a: {  	s3 =	rddreg [dreg:$0x2];
	[bflag:$0x3] =	sbarrier.arrive $0xFFFF;
	s2 =	simm.s32 @!p0 $0x1C02  }
0x3b: {  	[timem:s3], [sflag:s2] =	dma.local @!p0 [hbm:s0], s1  }
0x3c: {  	s0 =	simm.s32 @!p0 $0x2  }
0x3d: {  	_ =	swait.ge @!p0 [sflag:s0], s1  }
0x3e: {  	s1 =	ssub.s32 @!p0 $0x0, s1;
	[sflag:s0] =	ssyncset.done @!p0 $0x0  }
0x3f: {  	[sflag:s0] =	ssyncadd.s32 @!p0 s1  }
0x40: {  	[bflag:$0x3] =	sbarrier.arrive $0xFFFF  }
0x41: {  	_ =	shalt  }

</sc_bundles>
